<compile_context>
chip_gen: v7x
topology: tpu7x:2x2x1
jax: 0.10.2.dev20260603
libtpu: 0.0.44.dev20260713+nightly
codegen_flags: <defaults>
</compile_context>

<pallas_src>
import functools

import jax
import jax.numpy as jnp
from jax import lax
from jax.experimental import pallas as pl
from jax.experimental.pallas import tpu as pltpu
from jax.experimental.pallas import tpu_sc as plsc

N_EMB = 8192
DIM = 256
TOKENS = 18432
COMMIT = 0.25

TILE_N = 576
N_TILES = TOKENS // TILE_N
K_CHUNK = 1024
N_CHUNKS = N_EMB // K_CHUNK

_LOSS_SCALE = 2.0 * COMMIT / (TOKENS * DIM)


def _vq_argmin_body(z_ref, e_ref, idx_ref, loss_ref, et_ref, e2_ref):
    i = pl.program_id(0)

    @pl.when(i == 0)
    def _():
        loss_ref[...] = jnp.zeros_like(loss_ref)
        for c in range(N_CHUNKS):
            ec = e_ref[c * K_CHUNK:(c + 1) * K_CHUNK, :]
            ett = lax.transpose(ec, (1, 0))
            et_ref[:, c * K_CHUNK:(c + 1) * K_CHUNK] = ett
            e2_ref[:, c * K_CHUNK:(c + 1) * K_CHUNK] = jnp.sum(
                ett * ett, axis=0, keepdims=True)

    z = z_ref[...]
    z2 = jnp.sum(z * z, axis=1, keepdims=True)
    zn2 = z * jnp.float32(-2.0)
    iot = lax.broadcasted_iota(jnp.int32, (TILE_N, K_CHUNK), 1).astype(
        jnp.float32)
    rmin = None
    ridx = None
    for c in range(N_CHUNKS):
        ec = et_ref[:, c * K_CHUNK:(c + 1) * K_CHUNK]
        e2 = e2_ref[:, c * K_CHUNK:(c + 1) * K_CHUNK]
        m = lax.dot_general(zn2, ec, (((1,), (0,)), ((), ())),
                            preferred_element_type=jnp.float32)
        d = (z2 + e2) + m
        cmin = jnp.min(d, axis=1, keepdims=True)
        cidx = jnp.min(jnp.where(d == cmin, iot, jnp.float32(3e38)),
                       axis=1, keepdims=True) + jnp.float32(c * K_CHUNK)
        if c == 0:
            rmin, ridx = cmin, cidx
        else:
            upd = cmin < rmin
            rmin = jnp.where(upd, cmin, rmin)
            ridx = jnp.where(upd, cidx, ridx)
    idx_ref[...] = ridx.astype(jnp.int32)
    loss_ref[...] += jnp.sum(rmin, keepdims=True)

    @pl.when(i == N_TILES - 1)
    def _():
        loss_ref[...] = loss_ref[...] * _LOSS_SCALE


def _argmin_call(z_flat, emb):
    return pl.pallas_call(
        _vq_argmin_body,
        grid=(N_TILES,),
        in_specs=[
            pl.BlockSpec((TILE_N, DIM), lambda i: (i, 0)),
            pl.BlockSpec((N_EMB, DIM), lambda i: (0, 0)),
        ],
        out_specs=[
            pl.BlockSpec((TILE_N, 1), lambda i: (i, 0)),
            pl.BlockSpec((1, 1), lambda i: (0, 0)),
        ],
        out_shape=[
            jax.ShapeDtypeStruct((TOKENS, 1), jnp.int32),
            jax.ShapeDtypeStruct((1, 1), jnp.float32),
        ],
        scratch_shapes=[
            pltpu.VMEM((DIM, N_EMB), jnp.float32),
            pltpu.VMEM((1, N_EMB), jnp.float32),
        ],
    )(z_flat, emb)



_NC, _NS = 2, 16
_NW = _NC * _NS
_ROWS_PER_W = TOKENS // _NW
_GCHUNK = 96
_GCHUNKS = _ROWS_PER_W // _GCHUNK


def _sc_gather_body(table_hbm, idx_hbm, out_hbm, idx_v, rows_a, rows_b,
                    sem_a, sem_b):
    wid = lax.axis_index("s") * _NC + lax.axis_index("c")
    base = pl.multiple_of(wid * _ROWS_PER_W, 8)
    pltpu.sync_copy(idx_hbm.at[pl.ds(base, _ROWS_PER_W)], idx_v)
    bufs = (rows_a, rows_b)
    sems = (sem_a, sem_b)
    prev = pltpu.async_copy(table_hbm.at[idx_v.at[pl.ds(0, _GCHUNK)]],
                            bufs[0], sems[0])
    for c in range(_GCHUNKS):
        nxt = None
        if c + 1 < _GCHUNKS:
            nxt = pltpu.async_copy(
                table_hbm.at[idx_v.at[pl.ds((c + 1) * _GCHUNK, _GCHUNK)]],
                bufs[(c + 1) % 2], sems[(c + 1) % 2])
        prev.wait()
        pltpu.sync_copy(bufs[c % 2], out_hbm.at[pl.ds(base + c * _GCHUNK,
                                                      _GCHUNK)])
        prev = nxt


def _sc_gather(embedding, idx_flat):
    mesh = plsc.VectorSubcoreMesh(core_axis_name="c", subcore_axis_name="s")
    return pl.kernel(
        _sc_gather_body,
        mesh=mesh,
        out_type=jax.ShapeDtypeStruct((TOKENS, DIM), jnp.float32),
        scratch_types=[
            pltpu.VMEM((_ROWS_PER_W,), jnp.int32),
            pltpu.VMEM((_GCHUNK, DIM), jnp.float32),
            pltpu.VMEM((_GCHUNK, DIM), jnp.float32),
            pltpu.SemaphoreType.DMA,
            pltpu.SemaphoreType.DMA,
        ],
    )(embedding, idx_flat)


def kernel(inputs, embedding):
    z_flat = inputs.reshape(-1, DIM)
    encoding_indices, loss = _argmin_call(z_flat, embedding)
    idx_flat = encoding_indices.reshape(TOKENS)
    quantized = _sc_gather(embedding, idx_flat).reshape(inputs.shape)
    return quantized, encoding_indices, loss[0, 0]

# --- scband reference (transcript-rebuilt; emitter-appended) ---
"""Pipeline reference for scband-vector-quantization-17497696763999 (READ-ONLY COPY).

The authoritative reference and input builder live on the scoring server;
editing this copy changes nothing except your own understanding.
"""

import jax, jax.numpy as jnp
import numpy as np

NUM_EMBEDDINGS = 8192
EMBEDDING_DIM = 256
COMMITMENT_COST = 0.25


def setup_inputs(seed: int = 0) -> dict:
    key = jax.random.key(seed)
    k1, k2 = jax.random.split(key)
    inputs = jax.random.normal(k1, (32, 256, 24, 24), dtype=jnp.float32)
    embedding = jax.random.uniform(
        k2, (NUM_EMBEDDINGS, EMBEDDING_DIM), dtype=jnp.float32,
        minval=-1.0 / NUM_EMBEDDINGS, maxval=1.0 / NUM_EMBEDDINGS)
    return {"inputs": inputs, "embedding": embedding}


def reference(inputs, embedding):
    # Faithful translation of VectorQuantization.forward
    input_flattened = inputs.reshape(-1, EMBEDDING_DIM)
    distances = (
        jnp.sum(input_flattened ** 2, axis=1, keepdims=True)
        + jnp.sum(embedding ** 2, axis=1)
        - 2.0 * jnp.matmul(input_flattened, embedding.T)
    )
    encoding_indices = jnp.argmin(distances, axis=1)[:, None]
    quantized = jnp.take(embedding, encoding_indices[:, 0], axis=0).reshape(inputs.shape)
    e_latent_loss = jnp.mean((jax.lax.stop_gradient(quantized) - inputs) ** 2)
    q_latent_loss = jnp.mean((quantized - jax.lax.stop_gradient(inputs)) ** 2)
    commitment_loss = COMMITMENT_COST * (q_latent_loss + e_latent_loss)
    quantized = inputs + jax.lax.stop_gradient(quantized - inputs)
    return (quantized, encoding_indices, commitment_loss)

if __name__ == "__main__":
    import jax
    _d = setup_inputs()
    print(jax.jit(kernel)(*tuple(_d.values())))

</pallas_src>

<mosaic_0001>
#map = affine_map<(d0, d1) -> (0, 0)>
#map1 = affine_map<(d0, d1) -> (0)>
module attributes {stable_mosaic.version = 14 : i64} {
  func.func @_sc_gather_body(%arg0: i32, %arg1: i32, %arg2: memref<8192x256xf32, #tpu.memory_space<hbm>>, %arg3: memref<18432xi32, #tpu.memory_space<hbm>>, %arg4: memref<18432x256xf32, #tpu.memory_space<hbm>>, %arg5: memref<576xi32, #tpu.memory_space<vmem>>, %arg6: memref<96x256xf32, #tpu.memory_space<vmem>>, %arg7: memref<96x256xf32, #tpu.memory_space<vmem>>, %arg8: memref<!tpu.dma_semaphore, #tpu.memory_space<semaphore_mem>>, %arg9: memref<!tpu.dma_semaphore, #tpu.memory_space<semaphore_mem>>) attributes {dimension_semantics = [#tpu.dimension_semantics<core_parallel>, #tpu.dimension_semantics<subcore_parallel>], iteration_bounds = array<i64: 2, 16>, scalar_prefetch = 0 : i64, scratch_operands = 5 : i64, tpu.core_type = #tpu.core_type<sc_vector_subcore>, window_params = [{transform_indices = #map}, {transform_indices = #map1}, {transform_indices = #map}]} {
    %mul3A = arith.constant 2 : i32
    %mul3A_0 = arith.muli %arg1, %mul3A : i32
    %add3A = arith.addi %mul3A_0, %arg0 : i32
    %mul3A_1 = arith.constant 576 : i32
    %mul3A_2 = arith.muli %add3A, %mul3A_1 : i32
    %multiple_of3A = tpu.assume_multiple %mul3A_2, 8 : i32
    "tpu.region"() ({
      %run_scoped3A = tpu.sem_alloc : memref<!tpu.dma_semaphore, #tpu.memory_space<semaphore_mem>>
      %dma_start3A_73 = tpu.memref_slice %arg3[%multiple_of3A] : memref<18432xi32, #tpu.memory_space<hbm>> -> memref<576xi32, #tpu.memory_space<hbm>>
      %dma_start3A_74 = tpu.memref_slice %arg3[%multiple_of3A] : memref<18432xi32, #tpu.memory_space<hbm>> -> memref<576xi32, #tpu.memory_space<hbm>>
      tpu.enqueue_dma source(%dma_start3A_74 : memref<576xi32, #tpu.memory_space<hbm>>) target(%arg5 : memref<576xi32, #tpu.memory_space<vmem>>) target_semaphore(%run_scoped3A : memref<!tpu.dma_semaphore, #tpu.memory_space<semaphore_mem>>)
      %dma_wait3A_75 = tpu.memref_slice %arg3[%multiple_of3A] : memref<18432xi32, #tpu.memory_space<hbm>> -> memref<576xi32, #tpu.memory_space<hbm>>
      %dma_wait3A_76 = tpu.memref_slice %arg3[%multiple_of3A] : memref<18432xi32, #tpu.memory_space<hbm>> -> memref<576xi32, #tpu.memory_space<hbm>>
      tpu.wait_dma2 semaphore(%run_scoped3A : memref<!tpu.dma_semaphore, #tpu.memory_space<semaphore_mem>>) src(%dma_wait3A_76 : memref<576xi32, #tpu.memory_space<hbm>>) dst(%arg5 : memref<576xi32, #tpu.memory_space<vmem>>)
      tpu.yield
    }) : () -> ()
    %dma_start3A = arith.constant 0 : i32
    %dma_start3A_3 = tpu.memref_slice %arg5[%dma_start3A] : memref<576xi32, #tpu.memory_space<vmem>> -> memref<96xi32, #tpu.memory_space<vmem>>
    %dma_start3A_4 = arith.constant 0 : i32
    %dma_start3A_5 = arith.constant 0 : i32
    %dma_start3A_6 = tpu.memref_slice %arg2[%dma_start3A_4, %dma_start3A_5] : memref<8192x256xf32, #tpu.memory_space<hbm>> -> memref<8192x256xf32, #tpu.memory_space<hbm>>
    tpu.enqueue_indirect_dma source(%dma_start3A_6 : memref<8192x256xf32, #tpu.memory_space<hbm>>) target(%arg6 : memref<96x256xf32, #tpu.memory_space<vmem>>) offsets(%dma_start3A_3 : memref<96xi32, #tpu.memory_space<vmem>>) semaphore(%arg8 : memref<!tpu.dma_semaphore, #tpu.memory_space<semaphore_mem>>)
    %dma_start3A_7 = arith.constant 96 : i32
    %dma_start3A_8 = tpu.memref_slice %arg5[%dma_start3A_7] : memref<576xi32, #tpu.memory_space<vmem>> -> memref<96xi32, #tpu.memory_space<vmem>>
    %dma_start3A_9 = arith.constant 0 : i32
    %dma_start3A_10 = arith.constant 0 : i32
    %dma_start3A_11 = tpu.memref_slice %arg2[%dma_start3A_9, %dma_start3A_10] : memref<8192x256xf32, #tpu.memory_space<hbm>> -> memref<8192x256xf32, #tpu.memory_space<hbm>>
    tpu.enqueue_indirect_dma source(%dma_start3A_11 : memref<8192x256xf32, #tpu.memory_space<hbm>>) target(%arg7 : memref<96x256xf32, #tpu.memory_space<vmem>>) offsets(%dma_start3A_8 : memref<96xi32, #tpu.memory_space<vmem>>) semaphore(%arg9 : memref<!tpu.dma_semaphore, #tpu.memory_space<semaphore_mem>>)
    %dma_wait3A = arith.constant 0 : i32
    %dma_wait3A_12 = tpu.memref_slice %arg5[%dma_wait3A] : memref<576xi32, #tpu.memory_space<vmem>> -> memref<96xi32, #tpu.memory_space<vmem>>
    %dma_wait3A_13 = arith.constant 0 : i32
    %dma_wait3A_14 = arith.constant 0 : i32
    %dma_wait3A_15 = tpu.memref_slice %arg2[%dma_wait3A_13, %dma_wait3A_14] : memref<8192x256xf32, #tpu.memory_space<hbm>> -> memref<8192x256xf32, #tpu.memory_space<hbm>>
    tpu.wait_indirect_dma semaphore(%arg8 : memref<!tpu.dma_semaphore, #tpu.memory_space<semaphore_mem>>) src(%dma_wait3A_15 : memref<8192x256xf32, #tpu.memory_space<hbm>>) dst(%arg6 : memref<96x256xf32, #tpu.memory_space<vmem>>)
    %add3A_16 = arith.constant 0 : i32
    %add3A_17 = arith.addi %multiple_of3A, %add3A_16 : i32
    "tpu.region"() ({
      %run_scoped3A = tpu.sem_alloc : memref<!tpu.dma_semaphore, #tpu.memory_space<semaphore_mem>>
      %dma_start3A_73 = arith.constant 0 : i32
      %dma_start3A_74 = tpu.memref_slice %arg4[%add3A_17, %dma_start3A_73] : memref<18432x256xf32, #tpu.memory_space<hbm>> -> memref<96x256xf32, #tpu.memory_space<hbm>>
      %dma_start3A_75 = arith.constant 0 : i32
      %dma_start3A_76 = tpu.memref_slice %arg4[%add3A_17, %dma_start3A_75] : memref<18432x256xf32, #tpu.memory_space<hbm>> -> memref<96x256xf32, #tpu.memory_space<hbm>>
      tpu.enqueue_dma source(%arg6 : memref<96x256xf32, #tpu.memory_space<vmem>>) target(%dma_start3A_76 : memref<96x256xf32, #tpu.memory_space<hbm>>) target_semaphore(%run_scoped3A : memref<!tpu.dma_semaphore, #tpu.memory_space<semaphore_mem>>)
      %dma_wait3A_77 = arith.constant 0 : i32
      %dma_wait3A_78 = tpu.memref_slice %arg4[%add3A_17, %dma_wait3A_77] : memref<18432x256xf32, #tpu.memory_space<hbm>> -> memref<96x256xf32, #tpu.memory_space<hbm>>
      %dma_wait3A_79 = arith.constant 0 : i32
      %dma_wait3A_80 = tpu.memref_slice %arg4[%add3A_17, %dma_wait3A_79] : memref<18432x256xf32, #tpu.memory_space<hbm>> -> memref<96x256xf32, #tpu.memory_space<hbm>>
      tpu.wait_dma2 semaphore(%run_scoped3A : memref<!tpu.dma_semaphore, #tpu.memory_space<semaphore_mem>>) src(%arg6 : memref<96x256xf32, #tpu.memory_space<vmem>>) dst(%dma_wait3A_80 : memref<96x256xf32, #tpu.memory_space<hbm>>)
      tpu.yield
    }) : () -> ()
    %dma_start3A_18 = arith.constant 192 : i32
    %dma_start3A_19 = tpu.memref_slice %arg5[%dma_start3A_18] : memref<576xi32, #tpu.memory_space<vmem>> -> memref<96xi32, #tpu.memory_space<vmem>>
    %dma_start3A_20 = arith.constant 0 : i32
    %dma_start3A_21 = arith.constant 0 : i32
    %dma_start3A_22 = tpu.memref_slice %arg2[%dma_start3A_20, %dma_start3A_21] : memref<8192x256xf32, #tpu.memory_space<hbm>> -> memref<8192x256xf32, #tpu.memory_space<hbm>>
    tpu.enqueue_indirect_dma source(%dma_start3A_22 : memref<8192x256xf32, #tpu.memory_space<hbm>>) target(%arg6 : memref<96x256xf32, #tpu.memory_space<vmem>>) offsets(%dma_start3A_19 : memref<96xi32, #tpu.memory_space<vmem>>) semaphore(%arg8 : memref<!tpu.dma_semaphore, #tpu.memory_space<semaphore_mem>>)
    %dma_wait3A_23 = arith.constant 96 : i32
    %dma_wait3A_24 = tpu.memref_slice %arg5[%dma_wait3A_23] : memref<576xi32, #tpu.memory_space<vmem>> -> memref<96xi32, #tpu.memory_space<vmem>>
    %dma_wait3A_25 = arith.constant 0 : i32
    %dma_wait3A_26 = arith.constant 0 : i32
    %dma_wait3A_27 = tpu.memref_slice %arg2[%dma_wait3A_25, %dma_wait3A_26] : memref<8192x256xf32, #tpu.memory_space<hbm>> -> memref<8192x256xf32, #tpu.memory_space<hbm>>
    tpu.wait_indirect_dma semaphore(%arg9 : memref<!tpu.dma_semaphore, #tpu.memory_space<semaphore_mem>>) src(%dma_wait3A_27 : memref<8192x256xf32, #tpu.memory_space<hbm>>) dst(%arg7 : memref<96x256xf32, #tpu.memory_space<vmem>>)
    %add3A_28 = arith.constant 96 : i32
    %add3A_29 = arith.addi %multiple_of3A, %add3A_28 : i32
    "tpu.region"() ({
      %run_scoped3A = tpu.sem_alloc : memref<!tpu.dma_semaphore, #tpu.memory_space<semaphore_mem>>
      %dma_start3A_73 = arith.constant 0 : i32
      %dma_start3A_74 = tpu.memref_slice %arg4[%add3A_29, %dma_start3A_73] : memref<18432x256xf32, #tpu.memory_space<hbm>> -> memref<96x256xf32, #tpu.memory_space<hbm>>
      %dma_start3A_75 = arith.constant 0 : i32
      %dma_start3A_76 = tpu.memref_slice %arg4[%add3A_29, %dma_start3A_75] : memref<18432x256xf32, #tpu.memory_space<hbm>> -> memref<96x256xf32, #tpu.memory_space<hbm>>
      tpu.enqueue_dma source(%arg7 : memref<96x256xf32, #tpu.memory_space<vmem>>) target(%dma_start3A_76 : memref<96x256xf32, #tpu.memory_space<hbm>>) target_semaphore(%run_scoped3A : memref<!tpu.dma_semaphore, #tpu.memory_space<semaphore_mem>>)
      %dma_wait3A_77 = arith.constant 0 : i32
      %dma_wait3A_78 = tpu.memref_slice %arg4[%add3A_29, %dma_wait3A_77] : memref<18432x256xf32, #tpu.memory_space<hbm>> -> memref<96x256xf32, #tpu.memory_space<hbm>>
      %dma_wait3A_79 = arith.constant 0 : i32
      %dma_wait3A_80 = tpu.memref_slice %arg4[%add3A_29, %dma_wait3A_79] : memref<18432x256xf32, #tpu.memory_space<hbm>> -> memref<96x256xf32, #tpu.memory_space<hbm>>
      tpu.wait_dma2 semaphore(%run_scoped3A : memref<!tpu.dma_semaphore, #tpu.memory_space<semaphore_mem>>) src(%arg7 : memref<96x256xf32, #tpu.memory_space<vmem>>) dst(%dma_wait3A_80 : memref<96x256xf32, #tpu.memory_space<hbm>>)
      tpu.yield
    }) : () -> ()
    %dma_start3A_30 = arith.constant 288 : i32
    %dma_start3A_31 = tpu.memref_slice %arg5[%dma_start3A_30] : memref<576xi32, #tpu.memory_space<vmem>> -> memref<96xi32, #tpu.memory_space<vmem>>
    %dma_start3A_32 = arith.constant 0 : i32
    %dma_start3A_33 = arith.constant 0 : i32
    %dma_start3A_34 = tpu.memref_slice %arg2[%dma_start3A_32, %dma_start3A_33] : memref<8192x256xf32, #tpu.memory_space<hbm>> -> memref<8192x256xf32, #tpu.memory_space<hbm>>
    tpu.enqueue_indirect_dma source(%dma_start3A_34 : memref<8192x256xf32, #tpu.memory_space<hbm>>) target(%arg7 : memref<96x256xf32, #tpu.memory_space<vmem>>) offsets(%dma_start3A_31 : memref<96xi32, #tpu.memory_space<vmem>>) semaphore(%arg9 : memref<!tpu.dma_semaphore, #tpu.memory_space<semaphore_mem>>)
    %dma_wait3A_35 = arith.constant 192 : i32
    %dma_wait3A_36 = tpu.memref_slice %arg5[%dma_wait3A_35] : memref<576xi32, #tpu.memory_space<vmem>> -> memref<96xi32, #tpu.memory_space<vmem>>
    %dma_wait3A_37 = arith.constant 0 : i32
    %dma_wait3A_38 = arith.constant 0 : i32
    %dma_wait3A_39 = tpu.memref_slice %arg2[%dma_wait3A_37, %dma_wait3A_38] : memref<8192x256xf32, #tpu.memory_space<hbm>> -> memref<8192x256xf32, #tpu.memory_space<hbm>>
    tpu.wait_indirect_dma semaphore(%arg8 : memref<!tpu.dma_semaphore, #tpu.memory_space<semaphore_mem>>) src(%dma_wait3A_39 : memref<8192x256xf32, #tpu.memory_space<hbm>>) dst(%arg6 : memref<96x256xf32, #tpu.memory_space<vmem>>)
    %add3A_40 = arith.constant 192 : i32
    %add3A_41 = arith.addi %multiple_of3A, %add3A_40 : i32
    "tpu.region"() ({
      %run_scoped3A = tpu.sem_alloc : memref<!tpu.dma_semaphore, #tpu.memory_space<semaphore_mem>>
      %dma_start3A_73 = arith.constant 0 : i32
      %dma_start3A_74 = tpu.memref_slice %arg4[%add3A_41, %dma_start3A_73] : memref<18432x256xf32, #tpu.memory_space<hbm>> -> memref<96x256xf32, #tpu.memory_space<hbm>>
      %dma_start3A_75 = arith.constant 0 : i32
      %dma_start3A_76 = tpu.memref_slice %arg4[%add3A_41, %dma_start3A_75] : memref<18432x256xf32, #tpu.memory_space<hbm>> -> memref<96x256xf32, #tpu.memory_space<hbm>>
      tpu.enqueue_dma source(%arg6 : memref<96x256xf32, #tpu.memory_space<vmem>>) target(%dma_start3A_76 : memref<96x256xf32, #tpu.memory_space<hbm>>) target_semaphore(%run_scoped3A : memref<!tpu.dma_semaphore, #tpu.memory_space<semaphore_mem>>)
      %dma_wait3A_77 = arith.constant 0 : i32
      %dma_wait3A_78 = tpu.memref_slice %arg4[%add3A_41, %dma_wait3A_77] : memref<18432x256xf32, #tpu.memory_space<hbm>> -> memref<96x256xf32, #tpu.memory_space<hbm>>
      %dma_wait3A_79 = arith.constant 0 : i32
      %dma_wait3A_80 = tpu.memref_slice %arg4[%add3A_41, %dma_wait3A_79] : memref<18432x256xf32, #tpu.memory_space<hbm>> -> memref<96x256xf32, #tpu.memory_space<hbm>>
      tpu.wait_dma2 semaphore(%run_scoped3A : memref<!tpu.dma_semaphore, #tpu.memory_space<semaphore_mem>>) src(%arg6 : memref<96x256xf32, #tpu.memory_space<vmem>>) dst(%dma_wait3A_80 : memref<96x256xf32, #tpu.memory_space<hbm>>)
      tpu.yield
    }) : () -> ()
    %dma_start3A_42 = arith.constant 384 : i32
    %dma_start3A_43 = tpu.memref_slice %arg5[%dma_start3A_42] : memref<576xi32, #tpu.memory_space<vmem>> -> memref<96xi32, #tpu.memory_space<vmem>>
    %dma_start3A_44 = arith.constant 0 : i32
    %dma_start3A_45 = arith.constant 0 : i32
    %dma_start3A_46 = tpu.memref_slice %arg2[%dma_start3A_44, %dma_start3A_45] : memref<8192x256xf32, #tpu.memory_space<hbm>> -> memref<8192x256xf32, #tpu.memory_space<hbm>>
    tpu.enqueue_indirect_dma source(%dma_start3A_46 : memref<8192x256xf32, #tpu.memory_space<hbm>>) target(%arg6 : memref<96x256xf32, #tpu.memory_space<vmem>>) offsets(%dma_start3A_43 : memref<96xi32, #tpu.memory_space<vmem>>) semaphore(%arg8 : memref<!tpu.dma_semaphore, #tpu.memory_space<semaphore_mem>>)
    %dma_wait3A_47 = arith.constant 288 : i32
    %dma_wait3A_48 = tpu.memref_slice %arg5[%dma_wait3A_47] : memref<576xi32, #tpu.memory_space<vmem>> -> memref<96xi32, #tpu.memory_space<vmem>>
    %dma_wait3A_49 = arith.constant 0 : i32
    %dma_wait3A_50 = arith.constant 0 : i32
    %dma_wait3A_51 = tpu.memref_slice %arg2[%dma_wait3A_49, %dma_wait3A_50] : memref<8192x256xf32, #tpu.memory_space<hbm>> -> memref<8192x256xf32, #tpu.memory_space<hbm>>
    tpu.wait_indirect_dma semaphore(%arg9 : memref<!tpu.dma_semaphore, #tpu.memory_space<semaphore_mem>>) src(%dma_wait3A_51 : memref<8192x256xf32, #tpu.memory_space<hbm>>) dst(%arg7 : memref<96x256xf32, #tpu.memory_space<vmem>>)
    %add3A_52 = arith.constant 288 : i32
    %add3A_53 = arith.addi %multiple_of3A, %add3A_52 : i32
    "tpu.region"() ({
      %run_scoped3A = tpu.sem_alloc : memref<!tpu.dma_semaphore, #tpu.memory_space<semaphore_mem>>
      %dma_start3A_73 = arith.constant 0 : i32
      %dma_start3A_74 = tpu.memref_slice %arg4[%add3A_53, %dma_start3A_73] : memref<18432x256xf32, #tpu.memory_space<hbm>> -> memref<96x256xf32, #tpu.memory_space<hbm>>
      %dma_start3A_75 = arith.constant 0 : i32
      %dma_start3A_76 = tpu.memref_slice %arg4[%add3A_53, %dma_start3A_75] : memref<18432x256xf32, #tpu.memory_space<hbm>> -> memref<96x256xf32, #tpu.memory_space<hbm>>
      tpu.enqueue_dma source(%arg7 : memref<96x256xf32, #tpu.memory_space<vmem>>) target(%dma_start3A_76 : memref<96x256xf32, #tpu.memory_space<hbm>>) target_semaphore(%run_scoped3A : memref<!tpu.dma_semaphore, #tpu.memory_space<semaphore_mem>>)
      %dma_wait3A_77 = arith.constant 0 : i32
      %dma_wait3A_78 = tpu.memref_slice %arg4[%add3A_53, %dma_wait3A_77] : memref<18432x256xf32, #tpu.memory_space<hbm>> -> memref<96x256xf32, #tpu.memory_space<hbm>>
      %dma_wait3A_79 = arith.constant 0 : i32
      %dma_wait3A_80 = tpu.memref_slice %arg4[%add3A_53, %dma_wait3A_79] : memref<18432x256xf32, #tpu.memory_space<hbm>> -> memref<96x256xf32, #tpu.memory_space<hbm>>
      tpu.wait_dma2 semaphore(%run_scoped3A : memref<!tpu.dma_semaphore, #tpu.memory_space<semaphore_mem>>) src(%arg7 : memref<96x256xf32, #tpu.memory_space<vmem>>) dst(%dma_wait3A_80 : memref<96x256xf32, #tpu.memory_space<hbm>>)
      tpu.yield
    }) : () -> ()
    %dma_start3A_54 = arith.constant 480 : i32
    %dma_start3A_55 = tpu.memref_slice %arg5[%dma_start3A_54] : memref<576xi32, #tpu.memory_space<vmem>> -> memref<96xi32, #tpu.memory_space<vmem>>
    %dma_start3A_56 = arith.constant 0 : i32
    %dma_start3A_57 = arith.constant 0 : i32
    %dma_start3A_58 = tpu.memref_slice %arg2[%dma_start3A_56, %dma_start3A_57] : memref<8192x256xf32, #tpu.memory_space<hbm>> -> memref<8192x256xf32, #tpu.memory_space<hbm>>
    tpu.enqueue_indirect_dma source(%dma_start3A_58 : memref<8192x256xf32, #tpu.memory_space<hbm>>) target(%arg7 : memref<96x256xf32, #tpu.memory_space<vmem>>) offsets(%dma_start3A_55 : memref<96xi32, #tpu.memory_space<vmem>>) semaphore(%arg9 : memref<!tpu.dma_semaphore, #tpu.memory_space<semaphore_mem>>)
    %dma_wait3A_59 = arith.constant 384 : i32
    %dma_wait3A_60 = tpu.memref_slice %arg5[%dma_wait3A_59] : memref<576xi32, #tpu.memory_space<vmem>> -> memref<96xi32, #tpu.memory_space<vmem>>
    %dma_wait3A_61 = arith.constant 0 : i32
    %dma_wait3A_62 = arith.constant 0 : i32
    %dma_wait3A_63 = tpu.memref_slice %arg2[%dma_wait3A_61, %dma_wait3A_62] : memref<8192x256xf32, #tpu.memory_space<hbm>> -> memref<8192x256xf32, #tpu.memory_space<hbm>>
    tpu.wait_indirect_dma semaphore(%arg8 : memref<!tpu.dma_semaphore, #tpu.memory_space<semaphore_mem>>) src(%dma_wait3A_63 : memref<8192x256xf32, #tpu.memory_space<hbm>>) dst(%arg6 : memref<96x256xf32, #tpu.memory_space<vmem>>)
    %add3A_64 = arith.constant 384 : i32
    %add3A_65 = arith.addi %multiple_of3A, %add3A_64 : i32
    "tpu.region"() ({
      %run_scoped3A = tpu.sem_alloc : memref<!tpu.dma_semaphore, #tpu.memory_space<semaphore_mem>>
      %dma_start3A_73 = arith.constant 0 : i32
      %dma_start3A_74 = tpu.memref_slice %arg4[%add3A_65, %dma_start3A_73] : memref<18432x256xf32, #tpu.memory_space<hbm>> -> memref<96x256xf32, #tpu.memory_space<hbm>>
      %dma_start3A_75 = arith.constant 0 : i32
      %dma_start3A_76 = tpu.memref_slice %arg4[%add3A_65, %dma_start3A_75] : memref<18432x256xf32, #tpu.memory_space<hbm>> -> memref<96x256xf32, #tpu.memory_space<hbm>>
      tpu.enqueue_dma source(%arg6 : memref<96x256xf32, #tpu.memory_space<vmem>>) target(%dma_start3A_76 : memref<96x256xf32, #tpu.memory_space<hbm>>) target_semaphore(%run_scoped3A : memref<!tpu.dma_semaphore, #tpu.memory_space<semaphore_mem>>)
      %dma_wait3A_77 = arith.constant 0 : i32
      %dma_wait3A_78 = tpu.memref_slice %arg4[%add3A_65, %dma_wait3A_77] : memref<18432x256xf32, #tpu.memory_space<hbm>> -> memref<96x256xf32, #tpu.memory_space<hbm>>
      %dma_wait3A_79 = arith.constant 0 : i32
      %dma_wait3A_80 = tpu.memref_slice %arg4[%add3A_65, %dma_wait3A_79] : memref<18432x256xf32, #tpu.memory_space<hbm>> -> memref<96x256xf32, #tpu.memory_space<hbm>>
      tpu.wait_dma2 semaphore(%run_scoped3A : memref<!tpu.dma_semaphore, #tpu.memory_space<semaphore_mem>>) src(%arg6 : memref<96x256xf32, #tpu.memory_space<vmem>>) dst(%dma_wait3A_80 : memref<96x256xf32, #tpu.memory_space<hbm>>)
      tpu.yield
    }) : () -> ()
    %dma_wait3A_66 = arith.constant 480 : i32
    %dma_wait3A_67 = tpu.memref_slice %arg5[%dma_wait3A_66] : memref<576xi32, #tpu.memory_space<vmem>> -> memref<96xi32, #tpu.memory_space<vmem>>
    %dma_wait3A_68 = arith.constant 0 : i32
    %dma_wait3A_69 = arith.constant 0 : i32
    %dma_wait3A_70 = tpu.memref_slice %arg2[%dma_wait3A_68, %dma_wait3A_69] : memref<8192x256xf32, #tpu.memory_space<hbm>> -> memref<8192x256xf32, #tpu.memory_space<hbm>>
    tpu.wait_indirect_dma semaphore(%arg9 : memref<!tpu.dma_semaphore, #tpu.memory_space<semaphore_mem>>) src(%dma_wait3A_70 : memref<8192x256xf32, #tpu.memory_space<hbm>>) dst(%arg7 : memref<96x256xf32, #tpu.memory_space<vmem>>)
    %add3A_71 = arith.constant 480 : i32
    %add3A_72 = arith.addi %multiple_of3A, %add3A_71 : i32
    "tpu.region"() ({
      %run_scoped3A = tpu.sem_alloc : memref<!tpu.dma_semaphore, #tpu.memory_space<semaphore_mem>>
      %dma_start3A_73 = arith.constant 0 : i32
      %dma_start3A_74 = tpu.memref_slice %arg4[%add3A_72, %dma_start3A_73] : memref<18432x256xf32, #tpu.memory_space<hbm>> -> memref<96x256xf32, #tpu.memory_space<hbm>>
      %dma_start3A_75 = arith.constant 0 : i32
      %dma_start3A_76 = tpu.memref_slice %arg4[%add3A_72, %dma_start3A_75] : memref<18432x256xf32, #tpu.memory_space<hbm>> -> memref<96x256xf32, #tpu.memory_space<hbm>>
      tpu.enqueue_dma source(%arg7 : memref<96x256xf32, #tpu.memory_space<vmem>>) target(%dma_start3A_76 : memref<96x256xf32, #tpu.memory_space<hbm>>) target_semaphore(%run_scoped3A : memref<!tpu.dma_semaphore, #tpu.memory_space<semaphore_mem>>)
      %dma_wait3A_77 = arith.constant 0 : i32
      %dma_wait3A_78 = tpu.memref_slice %arg4[%add3A_72, %dma_wait3A_77] : memref<18432x256xf32, #tpu.memory_space<hbm>> -> memref<96x256xf32, #tpu.memory_space<hbm>>
      %dma_wait3A_79 = arith.constant 0 : i32
      %dma_wait3A_80 = tpu.memref_slice %arg4[%add3A_72, %dma_wait3A_79] : memref<18432x256xf32, #tpu.memory_space<hbm>> -> memref<96x256xf32, #tpu.memory_space<hbm>>
      tpu.wait_dma2 semaphore(%run_scoped3A : memref<!tpu.dma_semaphore, #tpu.memory_space<semaphore_mem>>) src(%arg7 : memref<96x256xf32, #tpu.memory_space<vmem>>) dst(%dma_wait3A_80 : memref<96x256xf32, #tpu.memory_space<hbm>>)
      tpu.yield
    }) : () -> ()
    return
  }
}

module attributes {stable_mosaic.version = 14 : i64} {
  func.func @_vq_argmin_body(%arg0: i32, %arg1: memref<576x256xf32, #tpu.memory_space<vmem>>, %arg2: memref<8192x256xf32, #tpu.memory_space<vmem>>, %arg3: memref<576x1xi32, #tpu.memory_space<vmem>>, %arg4: memref<1x1xf32, #tpu.memory_space<vmem>>, %arg5: memref<256x8192xf32, #tpu.memory_space<vmem>>, %arg6: memref<1x8192xf32, #tpu.memory_space<vmem>>) attributes {dimension_semantics = [#tpu.dimension_semantics<arbitrary>], iteration_bounds = array<i64: 32>, scalar_prefetch = 0 : i64, scratch_operands = 2 : i64, tpu.core_type = #tpu.core_type<tc>, window_params = [{transform_indices = @transform_0, window_bounds = array<i64: 576, 256>}, {pipeline_mode = #tpu.pipeline_mode<synchronous>, transform_indices = @transform_1, window_bounds = array<i64: 8192, 256>}, {transform_indices = @transform_2, window_bounds = array<i64: 576, 1>}, {pipeline_mode = #tpu.pipeline_mode<synchronous>, transform_indices = @transform_3, window_bounds = array<i64: 1, 1>}]} {
    %eq3A = arith.constant 0 : i32
    %eq3A_0 = arith.cmpi eq, %arg0, %eq3A : i32
    %convert_element_type3A = arith.extui %eq3A_0 : i1 to i32
    %cond3A = arith.constant 0 : i32
    %cond3A_1 = arith.cmpi ne, %convert_element_type3A, %cond3A : i32
    scf.if %cond3A_1 {
      %broadcast_in_dim3A_253 = arith.constant 0.000000e+00 : f32
      %broadcast_in_dim3A_254 = vector.broadcast %broadcast_in_dim3A_253 : f32 to vector<1x1xf32>
      %swap3A_255 = arith.constant 0 : index
      %swap3A_256 = arith.constant 0 : index
      %swap3A_257 = vector.load %arg4[%swap3A_255, %swap3A_256] : memref<1x1xf32, #tpu.memory_space<vmem>>, vector<1x1xf32>
      tpu.vector_store %arg4[%swap3A_255, %swap3A_256], %broadcast_in_dim3A_254 {strides = array<i32>} : memref<1x1xf32, #tpu.memory_space<vmem>>, vector<1x1xf32>,
      %get3A_258 = arith.constant 0 : index
      %get3A_259 = arith.constant 0 : index
      %get3A_260 = vector.load %arg2[%get3A_258, %get3A_259] : memref<8192x256xf32, #tpu.memory_space<vmem>>, vector<1024x256xf32>
      %transpose3A = tpu.transpose %get3A_260, [1, 0] : vector<1024x256xf32> -> vector<256x1024xf32>
      %swap3A_261 = arith.constant 0 : index
      %swap3A_262 = arith.constant 0 : index
      %swap3A_263 = vector.load %arg5[%swap3A_261, %swap3A_262] : memref<256x8192xf32, #tpu.memory_space<vmem>>, vector<256x1024xf32>
      tpu.vector_store %arg5[%swap3A_261, %swap3A_262], %transpose3A {strides = array<i32>} : memref<256x8192xf32, #tpu.memory_space<vmem>>, vector<256x1024xf32>,
      %mul3A_264 = arith.mulf %transpose3A, %transpose3A : vector<256x1024xf32>
      %reduce_sum3A_265 = arith.constant dense<0.000000e+00> : vector<1024xf32>
      %reduce_sum3A_266 = vector.multi_reduction <add>, %mul3A_264, %reduce_sum3A_265 [0] : vector<256x1024xf32> to vector<1024xf32>
      %broadcast_in_dim3A_267 = vector.shape_cast %reduce_sum3A_266 : vector<1024xf32> to vector<1x1024xf32>
      %swap3A_268 = arith.constant 0 : index
      %swap3A_269 = arith.constant 0 : index
      %swap3A_270 = vector.load %arg6[%swap3A_268, %swap3A_269] : memref<1x8192xf32, #tpu.memory_space<vmem>>, vector<1x1024xf32>
      tpu.vector_store %arg6[%swap3A_268, %swap3A_269], %broadcast_in_dim3A_267 {strides = array<i32>} : memref<1x8192xf32, #tpu.memory_space<vmem>>, vector<1x1024xf32>,
      %get3A_271 = arith.constant 1024 : index
      %get3A_272 = arith.constant 0 : index
      %get3A_273 = vector.load %arg2[%get3A_271, %get3A_272] : memref<8192x256xf32, #tpu.memory_space<vmem>>, vector<1024x256xf32>
      %transpose3A_274 = tpu.transpose %get3A_273, [1, 0] : vector<1024x256xf32> -> vector<256x1024xf32>
      %swap3A_275 = arith.constant 0 : index
      %swap3A_276 = arith.constant 1024 : index
      %swap3A_277 = vector.load %arg5[%swap3A_275, %swap3A_276] : memref<256x8192xf32, #tpu.memory_space<vmem>>, vector<256x1024xf32>
      tpu.vector_store %arg5[%swap3A_275, %swap3A_276], %transpose3A_274 {strides = array<i32>} : memref<256x8192xf32, #tpu.memory_space<vmem>>, vector<256x1024xf32>,
      %mul3A_278 = arith.mulf %transpose3A_274, %transpose3A_274 : vector<256x1024xf32>
      %reduce_sum3A_279 = arith.constant dense<0.000000e+00> : vector<1024xf32>
      %reduce_sum3A_280 = vector.multi_reduction <add>, %mul3A_278, %reduce_sum3A_279 [0] : vector<256x1024xf32> to vector<1024xf32>
      %broadcast_in_dim3A_281 = vector.shape_cast %reduce_sum3A_280 : vector<1024xf32> to vector<1x1024xf32>
      %swap3A_282 = arith.constant 0 : index
      %swap3A_283 = arith.constant 1024 : index
      %swap3A_284 = vector.load %arg6[%swap3A_282, %swap3A_283] : memref<1x8192xf32, #tpu.memory_space<vmem>>, vector<1x1024xf32>
      tpu.vector_store %arg6[%swap3A_282, %swap3A_283], %broadcast_in_dim3A_281 {strides = array<i32>} : memref<1x8192xf32, #tpu.memory_space<vmem>>, vector<1x1024xf32>,
      %get3A_285 = arith.constant 2048 : index
      %get3A_286 = arith.constant 0 : index
      %get3A_287 = vector.load %arg2[%get3A_285, %get3A_286] : memref<8192x256xf32, #tpu.memory_space<vmem>>, vector<1024x256xf32>
      %transpose3A_288 = tpu.transpose %get3A_287, [1, 0] : vector<1024x256xf32> -> vector<256x1024xf32>
      %swap3A_289 = arith.constant 0 : index
      %swap3A_290 = arith.constant 2048 : index
      %swap3A_291 = vector.load %arg5[%swap3A_289, %swap3A_290] : memref<256x8192xf32, #tpu.memory_space<vmem>>, vector<256x1024xf32>
      tpu.vector_store %arg5[%swap3A_289, %swap3A_290], %transpose3A_288 {strides = array<i32>} : memref<256x8192xf32, #tpu.memory_space<vmem>>, vector<256x1024xf32>,
      %mul3A_292 = arith.mulf %transpose3A_288, %transpose3A_288 : vector<256x1024xf32>
      %reduce_sum3A_293 = arith.constant dense<0.000000e+00> : vector<1024xf32>
      %reduce_sum3A_294 = vector.multi_reduction <add>, %mul3A_292, %reduce_sum3A_293 [0] : vector<256x1024xf32> to vector<1024xf32>
      %broadcast_in_dim3A_295 = vector.shape_cast %reduce_sum3A_294 : vector<1024xf32> to vector<1x1024xf32>
      %swap3A_296 = arith.constant 0 : index
      %swap3A_297 = arith.constant 2048 : index
      %swap3A_298 = vector.load %arg6[%swap3A_296, %swap3A_297] : memref<1x8192xf32, #tpu.memory_space<vmem>>, vector<1x1024xf32>
      tpu.vector_store %arg6[%swap3A_296, %swap3A_297], %broadcast_in_dim3A_295 {strides = array<i32>} : memref<1x8192xf32, #tpu.memory_space<vmem>>, vector<1x1024xf32>,
      %get3A_299 = arith.constant 3072 : index
      %get3A_300 = arith.constant 0 : index
      %get3A_301 = vector.load %arg2[%get3A_299, %get3A_300] : memref<8192x256xf32, #tpu.memory_space<vmem>>, vector<1024x256xf32>
      %transpose3A_302 = tpu.transpose %get3A_301, [1, 0] : vector<1024x256xf32> -> vector<256x1024xf32>
      %swap3A_303 = arith.constant 0 : index
      %swap3A_304 = arith.constant 3072 : index
      %swap3A_305 = vector.load %arg5[%swap3A_303, %swap3A_304] : memref<256x8192xf32, #tpu.memory_space<vmem>>, vector<256x1024xf32>
      tpu.vector_store %arg5[%swap3A_303, %swap3A_304], %transpose3A_302 {strides = array<i32>} : memref<256x8192xf32, #tpu.memory_space<vmem>>, vector<256x1024xf32>,
      %mul3A_306 = arith.mulf %transpose3A_302, %transpose3A_302 : vector<256x1024xf32>
      %reduce_sum3A_307 = arith.constant dense<0.000000e+00> : vector<1024xf32>
      %reduce_sum3A_308 = vector.multi_reduction <add>, %mul3A_306, %reduce_sum3A_307 [0] : vector<256x1024xf32> to vector<1024xf32>
      %broadcast_in_dim3A_309 = vector.shape_cast %reduce_sum3A_308 : vector<1024xf32> to vector<1x1024xf32>
      %swap3A_310 = arith.constant 0 : index
      %swap3A_311 = arith.constant 3072 : index
      %swap3A_312 = vector.load %arg6[%swap3A_310, %swap3A_311] : memref<1x8192xf32, #tpu.memory_space<vmem>>, vector<1x1024xf32>
      tpu.vector_store %arg6[%swap3A_310, %swap3A_311], %broadcast_in_dim3A_309 {strides = array<i32>} : memref<1x8192xf32, #tpu.memory_space<vmem>>, vector<1x1024xf32>,
      %get3A_313 = arith.constant 4096 : index
      %get3A_314 = arith.constant 0 : index
      %get3A_315 = vector.load %arg2[%get3A_313, %get3A_314] : memref<8192x256xf32, #tpu.memory_space<vmem>>, vector<1024x256xf32>
      %transpose3A_316 = tpu.transpose %get3A_315, [1, 0] : vector<1024x256xf32> -> vector<256x1024xf32>
      %swap3A_317 = arith.constant 0 : index
      %swap3A_318 = arith.constant 4096 : index
      %swap3A_319 = vector.load %arg5[%swap3A_317, %swap3A_318] : memref<256x8192xf32, #tpu.memory_space<vmem>>, vector<256x1024xf32>
      tpu.vector_store %arg5[%swap3A_317, %swap3A_318], %transpose3A_316 {strides = array<i32>} : memref<256x8192xf32, #tpu.memory_space<vmem>>, vector<256x1024xf32>,
      %mul3A_320 = arith.mulf %transpose3A_316, %transpose3A_316 : vector<256x1024xf32>
      %reduce_sum3A_321 = arith.constant dense<0.000000e+00> : vector<1024xf32>
      %reduce_sum3A_322 = vector.multi_reduction <add>, %mul3A_320, %reduce_sum3A_321 [0] : vector<256x1024xf32> to vector<1024xf32>
      %broadcast_in_dim3A_323 = vector.shape_cast %reduce_sum3A_322 : vector<1024xf32> to vector<1x1024xf32>
      %swap3A_324 = arith.constant 0 : index
      %swap3A_325 = arith.constant 4096 : index
      %swap3A_326 = vector.load %arg6[%swap3A_324, %swap3A_325] : memref<1x8192xf32, #tpu.memory_space<vmem>>, vector<1x1024xf32>
      tpu.vector_store %arg6[%swap3A_324, %swap3A_325], %broadcast_in_dim3A_323 {strides = array<i32>} : memref<1x8192xf32, #tpu.memory_space<vmem>>, vector<1x1024xf32>,
      %get3A_327 = arith.constant 5120 : index
      %get3A_328 = arith.constant 0 : index
      %get3A_329 = vector.load %arg2[%get3A_327, %get3A_328] : memref<8192x256xf32, #tpu.memory_space<vmem>>, vector<1024x256xf32>
      %transpose3A_330 = tpu.transpose %get3A_329, [1, 0] : vector<1024x256xf32> -> vector<256x1024xf32>
      %swap3A_331 = arith.constant 0 : index
      %swap3A_332 = arith.constant 5120 : index
      %swap3A_333 = vector.load %arg5[%swap3A_331, %swap3A_332] : memref<256x8192xf32, #tpu.memory_space<vmem>>, vector<256x1024xf32>
      tpu.vector_store %arg5[%swap3A_331, %swap3A_332], %transpose3A_330 {strides = array<i32>} : memref<256x8192xf32, #tpu.memory_space<vmem>>, vector<256x1024xf32>,
      %mul3A_334 = arith.mulf %transpose3A_330, %transpose3A_330 : vector<256x1024xf32>
      %reduce_sum3A_335 = arith.constant dense<0.000000e+00> : vector<1024xf32>
      %reduce_sum3A_336 = vector.multi_reduction <add>, %mul3A_334, %reduce_sum3A_335 [0] : vector<256x1024xf32> to vector<1024xf32>
      %broadcast_in_dim3A_337 = vector.shape_cast %reduce_sum3A_336 : vector<1024xf32> to vector<1x1024xf32>
      %swap3A_338 = arith.constant 0 : index
      %swap3A_339 = arith.constant 5120 : index
      %swap3A_340 = vector.load %arg6[%swap3A_338, %swap3A_339] : memref<1x8192xf32, #tpu.memory_space<vmem>>, vector<1x1024xf32>
      tpu.vector_store %arg6[%swap3A_338, %swap3A_339], %broadcast_in_dim3A_337 {strides = array<i32>} : memref<1x8192xf32, #tpu.memory_space<vmem>>, vector<1x1024xf32>,
      %get3A_341 = arith.constant 6144 : index
      %get3A_342 = arith.constant 0 : index
      %get3A_343 = vector.load %arg2[%get3A_341, %get3A_342] : memref<8192x256xf32, #tpu.memory_space<vmem>>, vector<1024x256xf32>
      %transpose3A_344 = tpu.transpose %get3A_343, [1, 0] : vector<1024x256xf32> -> vector<256x1024xf32>
      %swap3A_345 = arith.constant 0 : index
      %swap3A_346 = arith.constant 6144 : index
      %swap3A_347 = vector.load %arg5[%swap3A_345, %swap3A_346] : memref<256x8192xf32, #tpu.memory_space<vmem>>, vector<256x1024xf32>
      tpu.vector_store %arg5[%swap3A_345, %swap3A_346], %transpose3A_344 {strides = array<i32>} : memref<256x8192xf32, #tpu.memory_space<vmem>>, vector<256x1024xf32>,
      %mul3A_348 = arith.mulf %transpose3A_344, %transpose3A_344 : vector<256x1024xf32>
      %reduce_sum3A_349 = arith.constant dense<0.000000e+00> : vector<1024xf32>
      %reduce_sum3A_350 = vector.multi_reduction <add>, %mul3A_348, %reduce_sum3A_349 [0] : vector<256x1024xf32> to vector<1024xf32>
      %broadcast_in_dim3A_351 = vector.shape_cast %reduce_sum3A_350 : vector<1024xf32> to vector<1x1024xf32>
      %swap3A_352 = arith.constant 0 : index
      %swap3A_353 = arith.constant 6144 : index
      %swap3A_354 = vector.load %arg6[%swap3A_352, %swap3A_353] : memref<1x8192xf32, #tpu.memory_space<vmem>>, vector<1x1024xf32>
      tpu.vector_store %arg6[%swap3A_352, %swap3A_353], %broadcast_in_dim3A_351 {strides = array<i32>} : memref<1x8192xf32, #tpu.memory_space<vmem>>, vector<1x1024xf32>,
      %get3A_355 = arith.constant 7168 : index
      %get3A_356 = arith.constant 0 : index
      %get3A_357 = vector.load %arg2[%get3A_355, %get3A_356] : memref<8192x256xf32, #tpu.memory_space<vmem>>, vector<1024x256xf32>
      %transpose3A_358 = tpu.transpose %get3A_357, [1, 0] : vector<1024x256xf32> -> vector<256x1024xf32>
      %swap3A_359 = arith.constant 0 : index
      %swap3A_360 = arith.constant 7168 : index
      %swap3A_361 = vector.load %arg5[%swap3A_359, %swap3A_360] : memref<256x8192xf32, #tpu.memory_space<vmem>>, vector<256x1024xf32>
      tpu.vector_store %arg5[%swap3A_359, %swap3A_360], %transpose3A_358 {strides = array<i32>} : memref<256x8192xf32, #tpu.memory_space<vmem>>, vector<256x1024xf32>,
      %mul3A_362 = arith.mulf %transpose3A_358, %transpose3A_358 : vector<256x1024xf32>
      %reduce_sum3A_363 = arith.constant dense<0.000000e+00> : vector<1024xf32>
      %reduce_sum3A_364 = vector.multi_reduction <add>, %mul3A_362, %reduce_sum3A_363 [0] : vector<256x1024xf32> to vector<1024xf32>
      %broadcast_in_dim3A_365 = vector.shape_cast %reduce_sum3A_364 : vector<1024xf32> to vector<1x1024xf32>
      %swap3A_366 = arith.constant 0 : index
      %swap3A_367 = arith.constant 7168 : index
      %swap3A_368 = vector.load %arg6[%swap3A_366, %swap3A_367] : memref<1x8192xf32, #tpu.memory_space<vmem>>, vector<1x1024xf32>
      tpu.vector_store %arg6[%swap3A_366, %swap3A_367], %broadcast_in_dim3A_365 {strides = array<i32>} : memref<1x8192xf32, #tpu.memory_space<vmem>>, vector<1x1024xf32>,
    } else {
    }
    %get3A = arith.constant 0 : index
    %get3A_2 = arith.constant 0 : index
    %get3A_3 = vector.load %arg1[%get3A, %get3A_2] : memref<576x256xf32, #tpu.memory_space<vmem>>, vector<576x256xf32>
    %mul3A = arith.mulf %get3A_3, %get3A_3 : vector<576x256xf32>
    %reduce_sum3A = arith.constant dense<0.000000e+00> : vector<576xf32>
    %reduce_sum3A_4 = vector.multi_reduction <add>, %mul3A, %reduce_sum3A [1] : vector<576x256xf32> to vector<576xf32>
    %broadcast_in_dim3A = vector.shape_cast %reduce_sum3A_4 : vector<576xf32> to vector<576x1xf32>
    %mul3A_5 = arith.constant -2.000000e+00 : f32
    %mul3A_6 = vector.broadcast %mul3A_5 : f32 to vector<576x256xf32>
    %mul3A_7 = arith.mulf %get3A_3, %mul3A_6 : vector<576x256xf32>
    %iota3A = tpu.iota {dimensions = array<i32: 1>} : vector<576x1024xi32>
    %convert_element_type3A_8 = arith.sitofp %iota3A : vector<576x1024xi32> to vector<576x1024xf32>
    %get3A_9 = arith.constant 0 : index
    %get3A_10 = arith.constant 0 : index
    %get3A_11 = vector.load %arg5[%get3A_9, %get3A_10] : memref<256x8192xf32, #tpu.memory_space<vmem>>, vector<256x1024xf32>
    %get3A_12 = arith.constant 0 : index
    %get3A_13 = arith.constant 0 : index
    %get3A_14 = vector.load %arg6[%get3A_12, %get3A_13] : memref<1x8192xf32, #tpu.memory_space<vmem>>, vector<1x1024xf32>
    %dot_general3A = arith.constant dense<0.000000e+00> : vector<576x1024xf32>
    %dot_general3A_15 = tpu.matmul %mul3A_7, %get3A_11, %dot_general3A {dimension_numbers = #tpu.dot_dimension_numbers<[1], [0], [0], [1], [0, 0, 1, 1], [], []>, transpose_lhs_hint = false} : vector<576x256xf32>, vector<256x1024xf32>, vector<576x1024xf32> -> vector<576x1024xf32>
    %add3A = vector.broadcast %broadcast_in_dim3A : vector<576x1xf32> to vector<576x1024xf32>
    %add3A_16 = vector.broadcast %get3A_14 : vector<1x1024xf32> to vector<576x1024xf32>
    %add3A_17 = arith.addf %add3A, %add3A_16 : vector<576x1024xf32>
    %add3A_18 = arith.addf %add3A_17, %dot_general3A_15 : vector<576x1024xf32>
    %reduce_min3A = arith.constant dense<0x7F800000> : vector<576xf32>
    %reduce_min3A_19 = vector.multi_reduction <minimumf>, %add3A_18, %reduce_min3A [1] : vector<576x1024xf32> to vector<576xf32>
    %broadcast_in_dim3A_20 = vector.shape_cast %reduce_min3A_19 : vector<576xf32> to vector<576x1xf32>
    %eq3A_21 = vector.broadcast %broadcast_in_dim3A_20 : vector<576x1xf32> to vector<576x1024xf32>
    %eq3A_22 = arith.cmpf oeq, %add3A_18, %eq3A_21 : vector<576x1024xf32>
    %jit3A = arith.constant 3.000000e+38 : f32
    %broadcast_in_dim3A_23 = vector.broadcast %jit3A : f32 to vector<576x1024xf32>
    %select_n3A = arith.select %eq3A_22, %convert_element_type3A_8, %broadcast_in_dim3A_23 : vector<576x1024xi1>, vector<576x1024xf32>
    %reduce_min3A_24 = arith.constant dense<0x7F800000> : vector<576xf32>
    %reduce_min3A_25 = vector.multi_reduction <minimumf>, %select_n3A, %reduce_min3A_24 [1] : vector<576x1024xf32> to vector<576xf32>
    %broadcast_in_dim3A_26 = vector.shape_cast %reduce_min3A_25 : vector<576xf32> to vector<576x1xf32>
    %add3A_27 = arith.constant 0.000000e+00 : f32
    %add3A_28 = vector.broadcast %add3A_27 : f32 to vector<576x1xf32>
    %add3A_29 = arith.addf %broadcast_in_dim3A_26, %add3A_28 : vector<576x1xf32>
    %get3A_30 = arith.constant 0 : index
    %get3A_31 = arith.constant 1024 : index
    %get3A_32 = vector.load %arg5[%get3A_30, %get3A_31] : memref<256x8192xf32, #tpu.memory_space<vmem>>, vector<256x1024xf32>
    %get3A_33 = arith.constant 0 : index
    %get3A_34 = arith.constant 1024 : index
    %get3A_35 = vector.load %arg6[%get3A_33, %get3A_34] : memref<1x8192xf32, #tpu.memory_space<vmem>>, vector<1x1024xf32>
    %dot_general3A_36 = arith.constant dense<0.000000e+00> : vector<576x1024xf32>
    %dot_general3A_37 = tpu.matmul %mul3A_7, %get3A_32, %dot_general3A_36 {dimension_numbers = #tpu.dot_dimension_numbers<[1], [0], [0], [1], [0, 0, 1, 1], [], []>, transpose_lhs_hint = false} : vector<576x256xf32>, vector<256x1024xf32>, vector<576x1024xf32> -> vector<576x1024xf32>
    %add3A_38 = vector.broadcast %broadcast_in_dim3A : vector<576x1xf32> to vector<576x1024xf32>
    %add3A_39 = vector.broadcast %get3A_35 : vector<1x1024xf32> to vector<576x1024xf32>
    %add3A_40 = arith.addf %add3A_38, %add3A_39 : vector<576x1024xf32>
    %add3A_41 = arith.addf %add3A_40, %dot_general3A_37 : vector<576x1024xf32>
    %reduce_min3A_42 = arith.constant dense<0x7F800000> : vector<576xf32>
    %reduce_min3A_43 = vector.multi_reduction <minimumf>, %add3A_41, %reduce_min3A_42 [1] : vector<576x1024xf32> to vector<576xf32>
    %broadcast_in_dim3A_44 = vector.shape_cast %reduce_min3A_43 : vector<576xf32> to vector<576x1xf32>
    %eq3A_45 = vector.broadcast %broadcast_in_dim3A_44 : vector<576x1xf32> to vector<576x1024xf32>
    %eq3A_46 = arith.cmpf oeq, %add3A_41, %eq3A_45 : vector<576x1024xf32>
    %jit3A_47 = arith.constant 3.000000e+38 : f32
    %broadcast_in_dim3A_48 = vector.broadcast %jit3A_47 : f32 to vector<576x1024xf32>
    %select_n3A_49 = arith.select %eq3A_46, %convert_element_type3A_8, %broadcast_in_dim3A_48 : vector<576x1024xi1>, vector<576x1024xf32>
    %reduce_min3A_50 = arith.constant dense<0x7F800000> : vector<576xf32>
    %reduce_min3A_51 = vector.multi_reduction <minimumf>, %select_n3A_49, %reduce_min3A_50 [1] : vector<576x1024xf32> to vector<576xf32>
    %broadcast_in_dim3A_52 = vector.shape_cast %reduce_min3A_51 : vector<576xf32> to vector<576x1xf32>
    %add3A_53 = arith.constant 1.024000e+03 : f32
    %add3A_54 = vector.broadcast %add3A_53 : f32 to vector<576x1xf32>
    %add3A_55 = arith.addf %broadcast_in_dim3A_52, %add3A_54 : vector<576x1xf32>
    %lt3A = arith.cmpf olt, %broadcast_in_dim3A_44, %broadcast_in_dim3A_20 : vector<576x1xf32>
    %select_n3A_56 = arith.select %lt3A, %broadcast_in_dim3A_44, %broadcast_in_dim3A_20 : vector<576x1xi1>, vector<576x1xf32>
    %select_n3A_57 = arith.select %lt3A, %add3A_55, %add3A_29 : vector<576x1xi1>, vector<576x1xf32>
    %get3A_58 = arith.constant 0 : index
    %get3A_59 = arith.constant 2048 : index
    %get3A_60 = vector.load %arg5[%get3A_58, %get3A_59] : memref<256x8192xf32, #tpu.memory_space<vmem>>, vector<256x1024xf32>
    %get3A_61 = arith.constant 0 : index
    %get3A_62 = arith.constant 2048 : index
    %get3A_63 = vector.load %arg6[%get3A_61, %get3A_62] : memref<1x8192xf32, #tpu.memory_space<vmem>>, vector<1x1024xf32>
    %dot_general3A_64 = arith.constant dense<0.000000e+00> : vector<576x1024xf32>
    %dot_general3A_65 = tpu.matmul %mul3A_7, %get3A_60, %dot_general3A_64 {dimension_numbers = #tpu.dot_dimension_numbers<[1], [0], [0], [1], [0, 0, 1, 1], [], []>, transpose_lhs_hint = false} : vector<576x256xf32>, vector<256x1024xf32>, vector<576x1024xf32> -> vector<576x1024xf32>
    %add3A_66 = vector.broadcast %broadcast_in_dim3A : vector<576x1xf32> to vector<576x1024xf32>
    %add3A_67 = vector.broadcast %get3A_63 : vector<1x1024xf32> to vector<576x1024xf32>
    %add3A_68 = arith.addf %add3A_66, %add3A_67 : vector<576x1024xf32>
    %add3A_69 = arith.addf %add3A_68, %dot_general3A_65 : vector<576x1024xf32>
    %reduce_min3A_70 = arith.constant dense<0x7F800000> : vector<576xf32>
    %reduce_min3A_71 = vector.multi_reduction <minimumf>, %add3A_69, %reduce_min3A_70 [1] : vector<576x1024xf32> to vector<576xf32>
    %broadcast_in_dim3A_72 = vector.shape_cast %reduce_min3A_71 : vector<576xf32> to vector<576x1xf32>
    %eq3A_73 = vector.broadcast %broadcast_in_dim3A_72 : vector<576x1xf32> to vector<576x1024xf32>
    %eq3A_74 = arith.cmpf oeq, %add3A_69, %eq3A_73 : vector<576x1024xf32>
    %jit3A_75 = arith.constant 3.000000e+38 : f32
    %broadcast_in_dim3A_76 = vector.broadcast %jit3A_75 : f32 to vector<576x1024xf32>
    %select_n3A_77 = arith.select %eq3A_74, %convert_element_type3A_8, %broadcast_in_dim3A_76 : vector<576x1024xi1>, vector<576x1024xf32>
    %reduce_min3A_78 = arith.constant dense<0x7F800000> : vector<576xf32>
    %reduce_min3A_79 = vector.multi_reduction <minimumf>, %select_n3A_77, %reduce_min3A_78 [1] : vector<576x1024xf32> to vector<576xf32>
    %broadcast_in_dim3A_80 = vector.shape_cast %reduce_min3A_79 : vector<576xf32> to vector<576x1xf32>
    %add3A_81 = arith.constant 2.048000e+03 : f32
    %add3A_82 = vector.broadcast %add3A_81 : f32 to vector<576x1xf32>
    %add3A_83 = arith.addf %broadcast_in_dim3A_80, %add3A_82 : vector<576x1xf32>
    %lt3A_84 = arith.cmpf olt, %broadcast_in_dim3A_72, %select_n3A_56 : vector<576x1xf32>
    %select_n3A_85 = arith.select %lt3A_84, %broadcast_in_dim3A_72, %select_n3A_56 : vector<576x1xi1>, vector<576x1xf32>
    %select_n3A_86 = arith.select %lt3A_84, %add3A_83, %select_n3A_57 : vector<576x1xi1>, vector<576x1xf32>
    %get3A_87 = arith.constant 0 : index
    %get3A_88 = arith.constant 3072 : index
    %get3A_89 = vector.load %arg5[%get3A_87, %get3A_88] : memref<256x8192xf32, #tpu.memory_space<vmem>>, vector<256x1024xf32>
    %get3A_90 = arith.constant 0 : index
    %get3A_91 = arith.constant 3072 : index
    %get3A_92 = vector.load %arg6[%get3A_90, %get3A_91] : memref<1x8192xf32, #tpu.memory_space<vmem>>, vector<1x1024xf32>
    %dot_general3A_93 = arith.constant dense<0.000000e+00> : vector<576x1024xf32>
    %dot_general3A_94 = tpu.matmul %mul3A_7, %get3A_89, %dot_general3A_93 {dimension_numbers = #tpu.dot_dimension_numbers<[1], [0], [0], [1], [0, 0, 1, 1], [], []>, transpose_lhs_hint = false} : vector<576x256xf32>, vector<256x1024xf32>, vector<576x1024xf32> -> vector<576x1024xf32>
    %add3A_95 = vector.broadcast %broadcast_in_dim3A : vector<576x1xf32> to vector<576x1024xf32>
    %add3A_96 = vector.broadcast %get3A_92 : vector<1x1024xf32> to vector<576x1024xf32>
    %add3A_97 = arith.addf %add3A_95, %add3A_96 : vector<576x1024xf32>
    %add3A_98 = arith.addf %add3A_97, %dot_general3A_94 : vector<576x1024xf32>
    %reduce_min3A_99 = arith.constant dense<0x7F800000> : vector<576xf32>
    %reduce_min3A_100 = vector.multi_reduction <minimumf>, %add3A_98, %reduce_min3A_99 [1] : vector<576x1024xf32> to vector<576xf32>
    %broadcast_in_dim3A_101 = vector.shape_cast %reduce_min3A_100 : vector<576xf32> to vector<576x1xf32>
    %eq3A_102 = vector.broadcast %broadcast_in_dim3A_101 : vector<576x1xf32> to vector<576x1024xf32>
    %eq3A_103 = arith.cmpf oeq, %add3A_98, %eq3A_102 : vector<576x1024xf32>
    %jit3A_104 = arith.constant 3.000000e+38 : f32
    %broadcast_in_dim3A_105 = vector.broadcast %jit3A_104 : f32 to vector<576x1024xf32>
    %select_n3A_106 = arith.select %eq3A_103, %convert_element_type3A_8, %broadcast_in_dim3A_105 : vector<576x1024xi1>, vector<576x1024xf32>
    %reduce_min3A_107 = arith.constant dense<0x7F800000> : vector<576xf32>
    %reduce_min3A_108 = vector.multi_reduction <minimumf>, %select_n3A_106, %reduce_min3A_107 [1] : vector<576x1024xf32> to vector<576xf32>
    %broadcast_in_dim3A_109 = vector.shape_cast %reduce_min3A_108 : vector<576xf32> to vector<576x1xf32>
    %add3A_110 = arith.constant 3.072000e+03 : f32
    %add3A_111 = vector.broadcast %add3A_110 : f32 to vector<576x1xf32>
    %add3A_112 = arith.addf %broadcast_in_dim3A_109, %add3A_111 : vector<576x1xf32>
    %lt3A_113 = arith.cmpf olt, %broadcast_in_dim3A_101, %select_n3A_85 : vector<576x1xf32>
    %select_n3A_114 = arith.select %lt3A_113, %broadcast_in_dim3A_101, %select_n3A_85 : vector<576x1xi1>, vector<576x1xf32>
    %select_n3A_115 = arith.select %lt3A_113, %add3A_112, %select_n3A_86 : vector<576x1xi1>, vector<576x1xf32>
    %get3A_116 = arith.constant 0 : index
    %get3A_117 = arith.constant 4096 : index
    %get3A_118 = vector.load %arg5[%get3A_116, %get3A_117] : memref<256x8192xf32, #tpu.memory_space<vmem>>, vector<256x1024xf32>
    %get3A_119 = arith.constant 0 : index
    %get3A_120 = arith.constant 4096 : index
    %get3A_121 = vector.load %arg6[%get3A_119, %get3A_120] : memref<1x8192xf32, #tpu.memory_space<vmem>>, vector<1x1024xf32>
    %dot_general3A_122 = arith.constant dense<0.000000e+00> : vector<576x1024xf32>
    %dot_general3A_123 = tpu.matmul %mul3A_7, %get3A_118, %dot_general3A_122 {dimension_numbers = #tpu.dot_dimension_numbers<[1], [0], [0], [1], [0, 0, 1, 1], [], []>, transpose_lhs_hint = false} : vector<576x256xf32>, vector<256x1024xf32>, vector<576x1024xf32> -> vector<576x1024xf32>
    %add3A_124 = vector.broadcast %broadcast_in_dim3A : vector<576x1xf32> to vector<576x1024xf32>
    %add3A_125 = vector.broadcast %get3A_121 : vector<1x1024xf32> to vector<576x1024xf32>
    %add3A_126 = arith.addf %add3A_124, %add3A_125 : vector<576x1024xf32>
    %add3A_127 = arith.addf %add3A_126, %dot_general3A_123 : vector<576x1024xf32>
    %reduce_min3A_128 = arith.constant dense<0x7F800000> : vector<576xf32>
    %reduce_min3A_129 = vector.multi_reduction <minimumf>, %add3A_127, %reduce_min3A_128 [1] : vector<576x1024xf32> to vector<576xf32>
    %broadcast_in_dim3A_130 = vector.shape_cast %reduce_min3A_129 : vector<576xf32> to vector<576x1xf32>
    %eq3A_131 = vector.broadcast %broadcast_in_dim3A_130 : vector<576x1xf32> to vector<576x1024xf32>
    %eq3A_132 = arith.cmpf oeq, %add3A_127, %eq3A_131 : vector<576x1024xf32>
    %jit3A_133 = arith.constant 3.000000e+38 : f32
    %broadcast_in_dim3A_134 = vector.broadcast %jit3A_133 : f32 to vector<576x1024xf32>
    %select_n3A_135 = arith.select %eq3A_132, %convert_element_type3A_8, %broadcast_in_dim3A_134 : vector<576x1024xi1>, vector<576x1024xf32>
    %reduce_min3A_136 = arith.constant dense<0x7F800000> : vector<576xf32>
    %reduce_min3A_137 = vector.multi_reduction <minimumf>, %select_n3A_135, %reduce_min3A_136 [1] : vector<576x1024xf32> to vector<576xf32>
    %broadcast_in_dim3A_138 = vector.shape_cast %reduce_min3A_137 : vector<576xf32> to vector<576x1xf32>
    %add3A_139 = arith.constant 4.096000e+03 : f32
    %add3A_140 = vector.broadcast %add3A_139 : f32 to vector<576x1xf32>
    %add3A_141 = arith.addf %broadcast_in_dim3A_138, %add3A_140 : vector<576x1xf32>
    %lt3A_142 = arith.cmpf olt, %broadcast_in_dim3A_130, %select_n3A_114 : vector<576x1xf32>
    %select_n3A_143 = arith.select %lt3A_142, %broadcast_in_dim3A_130, %select_n3A_114 : vector<576x1xi1>, vector<576x1xf32>
    %select_n3A_144 = arith.select %lt3A_142, %add3A_141, %select_n3A_115 : vector<576x1xi1>, vector<576x1xf32>
    %get3A_145 = arith.constant 0 : index
    %get3A_146 = arith.constant 5120 : index
    %get3A_147 = vector.load %arg5[%get3A_145, %get3A_146] : memref<256x8192xf32, #tpu.memory_space<vmem>>, vector<256x1024xf32>
    %get3A_148 = arith.constant 0 : index
    %get3A_149 = arith.constant 5120 : index
    %get3A_150 = vector.load %arg6[%get3A_148, %get3A_149] : memref<1x8192xf32, #tpu.memory_space<vmem>>, vector<1x1024xf32>
    %dot_general3A_151 = arith.constant dense<0.000000e+00> : vector<576x1024xf32>
    %dot_general3A_152 = tpu.matmul %mul3A_7, %get3A_147, %dot_general3A_151 {dimension_numbers = #tpu.dot_dimension_numbers<[1], [0], [0], [1], [0, 0, 1, 1], [], []>, transpose_lhs_hint = false} : vector<576x256xf32>, vector<256x1024xf32>, vector<576x1024xf32> -> vector<576x1024xf32>
    %add3A_153 = vector.broadcast %broadcast_in_dim3A : vector<576x1xf32> to vector<576x1024xf32>
    %add3A_154 = vector.broadcast %get3A_150 : vector<1x1024xf32> to vector<576x1024xf32>
    %add3A_155 = arith.addf %add3A_153, %add3A_154 : vector<576x1024xf32>
    %add3A_156 = arith.addf %add3A_155, %dot_general3A_152 : vector<576x1024xf32>
    %reduce_min3A_157 = arith.constant dense<0x7F800000> : vector<576xf32>
    %reduce_min3A_158 = vector.multi_reduction <minimumf>, %add3A_156, %reduce_min3A_157 [1] : vector<576x1024xf32> to vector<576xf32>
    %broadcast_in_dim3A_159 = vector.shape_cast %reduce_min3A_158 : vector<576xf32> to vector<576x1xf32>
    %eq3A_160 = vector.broadcast %broadcast_in_dim3A_159 : vector<576x1xf32> to vector<576x1024xf32>
    %eq3A_161 = arith.cmpf oeq, %add3A_156, %eq3A_160 : vector<576x1024xf32>
    %jit3A_162 = arith.constant 3.000000e+38 : f32
    %broadcast_in_dim3A_163 = vector.broadcast %jit3A_162 : f32 to vector<576x1024xf32>
    %select_n3A_164 = arith.select %eq3A_161, %convert_element_type3A_8, %broadcast_in_dim3A_163 : vector<576x1024xi1>, vector<576x1024xf32>
    %reduce_min3A_165 = arith.constant dense<0x7F800000> : vector<576xf32>
    %reduce_min3A_166 = vector.multi_reduction <minimumf>, %select_n3A_164, %reduce_min3A_165 [1] : vector<576x1024xf32> to vector<576xf32>
    %broadcast_in_dim3A_167 = vector.shape_cast %reduce_min3A_166 : vector<576xf32> to vector<576x1xf32>
    %add3A_168 = arith.constant 5.120000e+03 : f32
    %add3A_169 = vector.broadcast %add3A_168 : f32 to vector<576x1xf32>
    %add3A_170 = arith.addf %broadcast_in_dim3A_167, %add3A_169 : vector<576x1xf32>
    %lt3A_171 = arith.cmpf olt, %broadcast_in_dim3A_159, %select_n3A_143 : vector<576x1xf32>
    %select_n3A_172 = arith.select %lt3A_171, %broadcast_in_dim3A_159, %select_n3A_143 : vector<576x1xi1>, vector<576x1xf32>
    %select_n3A_173 = arith.select %lt3A_171, %add3A_170, %select_n3A_144 : vector<576x1xi1>, vector<576x1xf32>
    %get3A_174 = arith.constant 0 : index
    %get3A_175 = arith.constant 6144 : index
    %get3A_176 = vector.load %arg5[%get3A_174, %get3A_175] : memref<256x8192xf32, #tpu.memory_space<vmem>>, vector<256x1024xf32>
    %get3A_177 = arith.constant 0 : index
    %get3A_178 = arith.constant 6144 : index
    %get3A_179 = vector.load %arg6[%get3A_177, %get3A_178] : memref<1x8192xf32, #tpu.memory_space<vmem>>, vector<1x1024xf32>
    %dot_general3A_180 = arith.constant dense<0.000000e+00> : vector<576x1024xf32>
    %dot_general3A_181 = tpu.matmul %mul3A_7, %get3A_176, %dot_general3A_180 {dimension_numbers = #tpu.dot_dimension_numbers<[1], [0], [0], [1], [0, 0, 1, 1], [], []>, transpose_lhs_hint = false} : vector<576x256xf32>, vector<256x1024xf32>, vector<576x1024xf32> -> vector<576x1024xf32>
    %add3A_182 = vector.broadcast %broadcast_in_dim3A : vector<576x1xf32> to vector<576x1024xf32>
    %add3A_183 = vector.broadcast %get3A_179 : vector<1x1024xf32> to vector<576x1024xf32>
    %add3A_184 = arith.addf %add3A_182, %add3A_183 : vector<576x1024xf32>
    %add3A_185 = arith.addf %add3A_184, %dot_general3A_181 : vector<576x1024xf32>
    %reduce_min3A_186 = arith.constant dense<0x7F800000> : vector<576xf32>
    %reduce_min3A_187 = vector.multi_reduction <minimumf>, %add3A_185, %reduce_min3A_186 [1] : vector<576x1024xf32> to vector<576xf32>
    %broadcast_in_dim3A_188 = vector.shape_cast %reduce_min3A_187 : vector<576xf32> to vector<576x1xf32>
    %eq3A_189 = vector.broadcast %broadcast_in_dim3A_188 : vector<576x1xf32> to vector<576x1024xf32>
    %eq3A_190 = arith.cmpf oeq, %add3A_185, %eq3A_189 : vector<576x1024xf32>
    %jit3A_191 = arith.constant 3.000000e+38 : f32
    %broadcast_in_dim3A_192 = vector.broadcast %jit3A_191 : f32 to vector<576x1024xf32>
    %select_n3A_193 = arith.select %eq3A_190, %convert_element_type3A_8, %broadcast_in_dim3A_192 : vector<576x1024xi1>, vector<576x1024xf32>
    %reduce_min3A_194 = arith.constant dense<0x7F800000> : vector<576xf32>
    %reduce_min3A_195 = vector.multi_reduction <minimumf>, %select_n3A_193, %reduce_min3A_194 [1] : vector<576x1024xf32> to vector<576xf32>
    %broadcast_in_dim3A_196 = vector.shape_cast %reduce_min3A_195 : vector<576xf32> to vector<576x1xf32>
    %add3A_197 = arith.constant 6.144000e+03 : f32
    %add3A_198 = vector.broadcast %add3A_197 : f32 to vector<576x1xf32>
    %add3A_199 = arith.addf %broadcast_in_dim3A_196, %add3A_198 : vector<576x1xf32>
    %lt3A_200 = arith.cmpf olt, %broadcast_in_dim3A_188, %select_n3A_172 : vector<576x1xf32>
    %select_n3A_201 = arith.select %lt3A_200, %broadcast_in_dim3A_188, %select_n3A_172 : vector<576x1xi1>, vector<576x1xf32>
    %select_n3A_202 = arith.select %lt3A_200, %add3A_199, %select_n3A_173 : vector<576x1xi1>, vector<576x1xf32>
    %get3A_203 = arith.constant 0 : index
    %get3A_204 = arith.constant 7168 : index
    %get3A_205 = vector.load %arg5[%get3A_203, %get3A_204] : memref<256x8192xf32, #tpu.memory_space<vmem>>, vector<256x1024xf32>
    %get3A_206 = arith.constant 0 : index
    %get3A_207 = arith.constant 7168 : index
    %get3A_208 = vector.load %arg6[%get3A_206, %get3A_207] : memref<1x8192xf32, #tpu.memory_space<vmem>>, vector<1x1024xf32>
    %dot_general3A_209 = arith.constant dense<0.000000e+00> : vector<576x1024xf32>
    %dot_general3A_210 = tpu.matmul %mul3A_7, %get3A_205, %dot_general3A_209 {dimension_numbers = #tpu.dot_dimension_numbers<[1], [0], [0], [1], [0, 0, 1, 1], [], []>, transpose_lhs_hint = false} : vector<576x256xf32>, vector<256x1024xf32>, vector<576x1024xf32> -> vector<576x1024xf32>
    %add3A_211 = vector.broadcast %broadcast_in_dim3A : vector<576x1xf32> to vector<576x1024xf32>
    %add3A_212 = vector.broadcast %get3A_208 : vector<1x1024xf32> to vector<576x1024xf32>
    %add3A_213 = arith.addf %add3A_211, %add3A_212 : vector<576x1024xf32>
    %add3A_214 = arith.addf %add3A_213, %dot_general3A_210 : vector<576x1024xf32>
    %reduce_min3A_215 = arith.constant dense<0x7F800000> : vector<576xf32>
    %reduce_min3A_216 = vector.multi_reduction <minimumf>, %add3A_214, %reduce_min3A_215 [1] : vector<576x1024xf32> to vector<576xf32>
    %broadcast_in_dim3A_217 = vector.shape_cast %reduce_min3A_216 : vector<576xf32> to vector<576x1xf32>
    %eq3A_218 = vector.broadcast %broadcast_in_dim3A_217 : vector<576x1xf32> to vector<576x1024xf32>
    %eq3A_219 = arith.cmpf oeq, %add3A_214, %eq3A_218 : vector<576x1024xf32>
    %jit3A_220 = arith.constant 3.000000e+38 : f32
    %broadcast_in_dim3A_221 = vector.broadcast %jit3A_220 : f32 to vector<576x1024xf32>
    %select_n3A_222 = arith.select %eq3A_219, %convert_element_type3A_8, %broadcast_in_dim3A_221 : vector<576x1024xi1>, vector<576x1024xf32>
    %reduce_min3A_223 = arith.constant dense<0x7F800000> : vector<576xf32>
    %reduce_min3A_224 = vector.multi_reduction <minimumf>, %select_n3A_222, %reduce_min3A_223 [1] : vector<576x1024xf32> to vector<576xf32>
    %broadcast_in_dim3A_225 = vector.shape_cast %reduce_min3A_224 : vector<576xf32> to vector<576x1xf32>
    %add3A_226 = arith.constant 7.168000e+03 : f32
    %add3A_227 = vector.broadcast %add3A_226 : f32 to vector<576x1xf32>
    %add3A_228 = arith.addf %broadcast_in_dim3A_225, %add3A_227 : vector<576x1xf32>
    %lt3A_229 = arith.cmpf olt, %broadcast_in_dim3A_217, %select_n3A_201 : vector<576x1xf32>
    %select_n3A_230 = arith.select %lt3A_229, %broadcast_in_dim3A_217, %select_n3A_201 : vector<576x1xi1>, vector<576x1xf32>
    %select_n3A_231 = arith.select %lt3A_229, %add3A_228, %select_n3A_202 : vector<576x1xi1>, vector<576x1xf32>
    %convert_element_type3A_232 = arith.fptosi %select_n3A_231 : vector<576x1xf32> to vector<576x1xi32>
    %swap3A = arith.constant 0 : index
    %swap3A_233 = arith.constant 0 : index
    %swap3A_234 = vector.load %arg3[%swap3A, %swap3A_233] : memref<576x1xi32, #tpu.memory_space<vmem>>, vector<576x1xi32>
    tpu.vector_store %arg3[%swap3A, %swap3A_233], %convert_element_type3A_232 {strides = array<i32>} : memref<576x1xi32, #tpu.memory_space<vmem>>, vector<576x1xi32>,
    %get3A_235 = arith.constant 0 : index
    %get3A_236 = arith.constant 0 : index
    %get3A_237 = vector.load %arg4[%get3A_235, %get3A_236] : memref<1x1xf32, #tpu.memory_space<vmem>>, vector<1x1xf32>
    %reduce_sum3A_238 = vector.shape_cast %select_n3A_230 : vector<576x1xf32> to vector<1x576x1xf32>
    %reduce_sum3A_239 = arith.constant dense<0.000000e+00> : vector<1xf32>
    %reduce_sum3A_240 = vector.multi_reduction <add>, %reduce_sum3A_238, %reduce_sum3A_239 [1, 2] : vector<1x576x1xf32> to vector<1xf32>
    %reduce_sum3A_241 = vector.shape_cast %reduce_sum3A_240 : vector<1xf32> to vector<1x1x1xf32>
    %reduce_sum3A_242 = vector.extract %reduce_sum3A_241[0, 0, 0] : f32 from vector<1x1x1xf32>
    %broadcast_in_dim3A_243 = vector.broadcast %reduce_sum3A_242 : f32 to vector<1x1xf32>
    %add3A_244 = arith.addf %get3A_237, %broadcast_in_dim3A_243 : vector<1x1xf32>
    %swap3A_245 = arith.constant 0 : index
    %swap3A_246 = arith.constant 0 : index
    %swap3A_247 = vector.load %arg4[%swap3A_245, %swap3A_246] : memref<1x1xf32, #tpu.memory_space<vmem>>, vector<1x1xf32>
    tpu.vector_store %arg4[%swap3A_245, %swap3A_246], %add3A_244 {strides = array<i32>} : memref<1x1xf32, #tpu.memory_space<vmem>>, vector<1x1xf32>,
    %eq3A_248 = arith.constant 31 : i32
    %eq3A_249 = arith.cmpi eq, %arg0, %eq3A_248 : i32
    %convert_element_type3A_250 = arith.extui %eq3A_249 : i1 to i32
    %cond3A_251 = arith.constant 0 : i32
    %cond3A_252 = arith.cmpi ne, %convert_element_type3A_250, %cond3A_251 : i32
    scf.if %cond3A_252 {
      %get3A_253 = arith.constant 0 : index
      %get3A_254 = arith.constant 0 : index
      %get3A_255 = vector.load %arg4[%get3A_253, %get3A_254] : memref<1x1xf32, #tpu.memory_space<vmem>>, vector<1x1xf32>
      %mul3A_256 = arith.constant 1.05963814E-7 : f32
      %mul3A_257 = vector.broadcast %mul3A_256 : f32 to vector<1x1xf32>
      %mul3A_258 = arith.mulf %get3A_255, %mul3A_257 : vector<1x1xf32>
      %swap3A_259 = arith.constant 0 : index
      %swap3A_260 = arith.constant 0 : index
      %swap3A_261 = vector.load %arg4[%swap3A_259, %swap3A_260] : memref<1x1xf32, #tpu.memory_space<vmem>>, vector<1x1xf32>
      tpu.vector_store %arg4[%swap3A_259, %swap3A_260], %mul3A_258 {strides = array<i32>} : memref<1x1xf32, #tpu.memory_space<vmem>>, vector<1x1xf32>,
    } else {
    }
    return
  }
  func.func @transform_0(%arg0: i32) -> (i32, i32) {
    %c0_i32 = arith.constant 0 : i32
    %c0_i32_0 = arith.constant 0 : i32
    return %arg0, %c0_i32 : i32, i32
  }
  func.func @transform_1(%arg0: i32) -> (i32, i32) {
    %c0_i32 = arith.constant 0 : i32
    %c0_i32_0 = arith.constant 0 : i32
    %c0_i32_1 = arith.constant 0 : i32
    return %c0_i32, %c0_i32_0 : i32, i32
  }
  func.func @transform_2(%arg0: i32) -> (i32, i32) {
    %c0_i32 = arith.constant 0 : i32
    %c0_i32_0 = arith.constant 0 : i32
    return %arg0, %c0_i32 : i32, i32
  }
  func.func @transform_3(%arg0: i32) -> (i32, i32) {
    %c0_i32 = arith.constant 0 : i32
    %c0_i32_0 = arith.constant 0 : i32
    %c0_i32_1 = arith.constant 0 : i32
    return %c0_i32, %c0_i32_0 : i32, i32
  }
}

</mosaic_0001>

<sc_bundles>
// kernel: kernel.4.cloned.1.call-start
scs
__scs_entry_jumppad:
0x0: {  	(pc) =	sbr.rel $0x88, $3  }
0x1: {  	(tag) =	ssettag $0x0;
	lr =	simm.s32 $0x1  }
0x2: {  	[smem:$0x3F9F] =	sst lr;
	_ =	strace $0xD0000000  }
0x3: {  	_ = 	snop  }
0x4: {  	_ = 	snop  }
0x5: {  	_ = 	snop  }
0x6: {  	_ = 	snop  }
0x7: {  	_ = 	snop  }
__scs_overlays_trampoline_lowered:
0x8: {  	[smem:$0x3FAE] =	sst s0  }
0x9: {  	[smem:$0x3FAF] =	sst s1  }
0xa: {  	[smem:$0x3FB0] =	sst s2  }
0xb: {  	[smem:$0x3FB1] =	sst s3  }
0xc: {  	[smem:$0x3FB2] =	sst s4  }
0xd: {  	[smem:$0x3FB3] =	sst s5  }
0xe: {  	[smem:$0x3FB4] =	sst s6  }
0xf: {  	[smem:$0x3FB5] =	sst s7  }
0x10: {  	[smem:$0x3FB6] =	sst s8  }
0x11: {  	[smem:$0x3FB7] =	sst s9;
	s0 =	simm.s32 @!p0 $0x0  }
0x12: {  	s1 =	sld [smem:$0x3F9D];
	s0 =	simm.s32 @p0 $0x1  }
0x13: {  	[smem:$0x3FB8] =	sst s0;
	s0 =	simm.s32 @!p1 $0x0  }
0x14: {  	s2 =	sld [smem:$0x3F9C];
	s0 =	simm.s32 @p1 $0x1  }
0x15: {  	[smem:$0x3FB9] =	sst s0;
	s0 =	simm.s32 @!p2 $0x0  }
0x16: {  	s3 =	sld [smem:$0x3FDB];
	s0 =	simm.s32 @p2 $0x1  }
0x17: {  	s4 =	simm.s32 $0x1BF5;
	[smem:$0x3FBB] =	sst s0  }
0x18: {  	s0 =	sld [smem:$0x3F9E];
	_ =	swait.ge [sflag:s4], $0x0  }
0x19: {  	s7 =	sld [smem:$0x3F9F]  }
0x1a: {  	s8 =	sadd.s32 $0xFFFFE003, lr  }
0x1b: {  	s9 =	sadd.s32 $0xFFFFFEF7, lr;
	s5 =	simm.s32 $0xFFFFFFFF;
	p2 =	slt.u32 s8, $0xFFFFF086  }
0x1c: {  	p1 =	slt.u32 s9, $0xF7A;
	s5 =	simm.s32 @!p2 $0x0  }
0x1d: {  	s5 =	simm.s32 @p1 $0x1;
	p0 =	seq.s32 s7, s2  }
0x1e: {  	s7 =	smul.u32 @!p0 $0xF7A, s2;
	p2 =	seq.s32 @!p0 s5, $0x0  }
0x1f: {  	s9 =	smul.u32 $0xF7A, s1;
	s8 =	simm.s32 @!p0 $0x1BF5;
	p2 =	por !p2, p0  }
0x20: {  	[sflag:s8] =	ssyncset.s32 @!p0 $0xFFFFF086;
	s6 =	sadd.s32 @!p0 s3, s7;
	s7 =	simm.s32 @!p0 $0x108  }
0x21: {  	s3 =	sadd.s32 s3, s9;
	s6 =	sadd.s32 @!p0 $0x88, s6;
	s7 =	simm.s32 @p2 $0x1082  }
0x22: {  	[simem:s7], [sflag:s8] =	dma.local @!p0 [hbm:s6], $0xF7A  }
0x23: {  	s9 =	sor.u32 $0xD0000000, s2;
	s6 =	simm.s32 $0x108;
	_ =	swait.ge @!p0 [sflag:s8], $0x0  }
0x24: {  	s3 =	sadd.s32 $0x88, s3;
	s6 =	simm.s32 @!p1 $0x1082;
	[sflag:s4] =	ssyncset.s32 $0xFFFFF086  }
0x25: {  	[simem:s6], [sflag:s4] =	dma.local [hbm:s3], $0xF7A  }
0x26: {  	[smem:$0x3F9F] =	sst s1;
	(tag) =	ssettag s2;
	_ =	strace s9  }
0x27: {  	s1 =	sld [smem:$0x3FAF]  }
0x28: {  	s2 =	sld [smem:$0x3FB0]  }
0x29: {  	s4 =	sld [smem:$0x3FB2]  }
0x2a: {  	p0 =	seq.s32 s5, $0x0;
	s5 =	sld [smem:$0x3FB3]  }
0x2b: {  	s6 =	sld [smem:$0x3FB4]  }
0x2c: {  	s7 =	sld [smem:$0x3FB5]  }
0x2d: {  	s3 =	simm.s32 $0x108;
	s8 =	sld [smem:$0x3FB6]  }
0x2e: {  	s3 =	simm.s32 @!p0 $0x1082;
	s9 =	sld [smem:$0x3FB7]  }
0x2f: {  	lr =	sadd.s32 s0, s3;
	s0 =	sld [smem:$0x3FAE]  }
0x30: {  	s3 =	sld [smem:$0x3FB1]  }
0x31: {  	[smem:$0x3FBA] =	sst s10  }
0x32: {  	s10 =	sld [smem:$0x3FB8];
	_ =	sdelay $0x3  }
0x33: {  	p0 =	seq.s32 s10, $0x1;
	s10 =	sld [smem:$0x3FBA];
	_ =	sdelay $0x3  }
0x34: {  	[smem:$0x3FBA] =	sst s10  }
0x35: {  	s10 =	sld [smem:$0x3FB9];
	_ =	sdelay $0x3  }
0x36: {  	p1 =	seq.s32 s10, $0x1;
	s10 =	sld [smem:$0x3FBA];
	_ =	sdelay $0x3  }
0x37: {  	[smem:$0x3FBA] =	sst s10  }
0x38: {  	s10 =	sld [smem:$0x3FBB]  }
0x39: {  	_ = 	snop;
	(pc) =	sbr.ind lr, $3  }
0x3a: {  	_ = 	snop  }
0x3b: {  	_ = 	snop  }
0x3c: {  	p2 =	seq.s32 s10, $0x1;
	s10 =	sld [smem:$0x3FBA]  }
0x3d: {  	_ =	shalt  }
0x3e: {  	_ =	shalt  }
0x3f: {  	_ =	shalt  }
0x40: {  	_ =	shalt  }
0x41: {  	_ =	shalt  }
0x42: {  	_ =	shalt  }
0x43: {  	_ =	shalt  }
0x44: {  	_ =	shalt  }
0x45: {  	_ =	shalt  }
0x46: {  	_ =	shalt  }
0x47: {  	_ =	shalt  }
0x48: {  	_ =	shalt  }
0x49: {  	_ =	shalt  }
0x4a: {  	_ =	shalt  }
0x4b: {  	_ =	shalt  }
0x4c: {  	_ =	shalt  }
0x4d: {  	_ =	shalt  }
0x4e: {  	_ =	shalt  }
0x4f: {  	_ =	shalt  }
0x50: {  	_ =	shalt  }
0x51: {  	_ =	shalt  }
0x52: {  	_ =	shalt  }
0x53: {  	_ =	shalt  }
0x54: {  	_ =	shalt  }
0x55: {  	_ =	shalt  }
0x56: {  	_ =	shalt  }
0x57: {  	_ =	shalt  }
0x58: {  	_ =	shalt  }
0x59: {  	_ =	shalt  }
0x5a: {  	_ =	shalt  }
0x5b: {  	_ =	shalt  }
0x5c: {  	_ =	shalt  }
0x5d: {  	_ =	shalt  }
0x5e: {  	_ =	shalt  }
0x5f: {  	_ =	shalt  }
0x60: {  	_ =	shalt  }
0x61: {  	_ =	shalt  }
0x62: {  	_ =	shalt  }
0x63: {  	_ =	shalt  }
0x64: {  	_ =	shalt  }
0x65: {  	_ =	shalt  }
0x66: {  	_ =	shalt  }
0x67: {  	_ =	shalt  }
0x68: {  	_ =	shalt  }
0x69: {  	_ =	shalt  }
0x6a: {  	_ =	shalt  }
0x6b: {  	_ =	shalt  }
0x6c: {  	_ =	shalt  }
0x6d: {  	_ =	shalt  }
0x6e: {  	_ =	shalt  }
0x6f: {  	_ =	shalt  }
0x70: {  	_ =	shalt  }
0x71: {  	_ =	shalt  }
0x72: {  	_ =	shalt  }
0x73: {  	_ =	shalt  }
0x74: {  	_ =	shalt  }
0x75: {  	_ =	shalt  }
0x76: {  	_ =	shalt  }
0x77: {  	_ =	shalt  }
0x78: {  	_ =	shalt  }
0x79: {  	_ =	shalt  }
0x7a: {  	_ =	shalt  }
0x7b: {  	_ =	shalt  }
0x7c: {  	_ =	shalt  }
0x7d: {  	_ =	shalt  }
0x7e: {  	_ =	shalt  }
0x7f: {  	_ =	shalt  }
0x80: {  	_ =	shalt  }
0x81: {  	_ =	shalt  }
0x82: {  	_ =	shalt  }
0x83: {  	_ =	shalt  }
0x84: {  	_ =	shalt  }
0x85: {  	_ =	shalt  }
0x86: {  	_ =	shalt  }
0x87: {  	_ =	shalt  }
.Lfunc_end0:
.L_simem_size_0:
called_computation_lowered:
.L_overlay_start_0:
0x88: {  	s2 =	sld [smem:$0x3FD9]  }
0x89: {  	s3 =	sld [smem:$0x3FFE];
	_ =	sdelay $0x1  }
0x8a: {  	s1 =	srdreg.scid  }
0x8b: {  	s0 =	sand.u32 $0x1, s1  }
0x8c: {  	s14 =	sshll.u32 s0, $0xA;
	s2 =	sadd.s32 s3, s2  }
0x8d: {  	s2 =	sadd.s32 s2, s14  }
0x8e: {  	[smem:$0x3FC6] =	sst s2  }
0x8f: {  	_ = 	snop  }
0x90: {  	s2 =	sld [smem:$0x3FD0];
	_ =	sdelay $0x2  }
0x91: {  	s4 =	simm.s32 $0xA;
	s5 =	simm.s32 $0x10;
	s15 =	sld [smem:$0x3FC8]  }
0x92: {  	[smem:s5], [sflag:s4] =	dma.local [hbm:s2], $0x1  }
0x93: {  	_ =	swait.eq [sflag:s4], $0x1  }
0x94: {  	[sflag:s4] =	ssyncset.done $0x0  }
0x95: {  	[sflag:s4] =	ssyncadd.s32 $0xFFFFFFFF  }
0x96: {  	s16 =	sld [smem:$0x10];
	(tm) =	ssettm $0x1  }
0x97: {  	s17 =	sld [smem:$0x3FFB];
	_ =	sdelay $0x3  }
0x98: {  	_ =	strace s17  }
0x99: {  	s4 =	sld [smem:$0x3FFC];
	_ =	sdelay $0x3  }
0x9a: {  	_ =	strace s4  }
0x9b: {  	s4 =	sld [smem:$0x3FFD];
	_ =	sdelay $0x3  }
0x9c: {  	_ =	strace s4  }
0x9d: {  	_ =	strace $0x8FFFFFFF  }
0x9e: {  	s18 =	sld [smem:$0x3FDB];
	_ =	sdelay $0x1  }
0x9f: {  	s19 =	simm.s32 $_scs_section_size  }
0xa0: {  	s6 =	simm.s32 $_size__tile_overlayer_lowered;
	s7 =	simm.s32 $_tile_overlayer_lowered  }
0xa1: {  	s22 =	simm.s32 $0x1BFF;
	s21 =	sshll.u32 s7, $0x1;
	s4 =	sadd.s32 s19, s18  }
0xa2: {  	s8 =	simm.s32 $0x0;
	s20 =	sshll.u32 s6, $0x1;
	s6 =	sadd.s32 s21, s4  }
0xa3: {  	[timem:s8], [sflag:s22] =	dma.local [hbm:s6], s20  }
0xa4: {  	_ =	swait.ge [sflag:s22], s20  }
0xa5: {  	s5 =	ssub.s32 $0x0, s20;
	[sflag:s22] =	ssyncset.done $0x0  }
0xa6: {  	[sflag:s22] =	ssyncadd.s32 s5;
	_ =	sdelay $0x1  }
0xa7: {  	s23 =	simm.s32 $0x1B8B  }
0xa8: {  	_ =	swait.ge [sflag:s23], $0x1  }
0xa9: {  	[sflag:s23] =	ssyncset.done $0x0  }
0xaa: {  	s25 =	simm.s32 $0x1B8E;
	s24 =	sld [smem:$0x3FFE];
	[sflag:s23] =	ssyncadd.s32 $0xFFFFFFFF  }
0xab: {  	s26 =	simm.s32 $execute0_lowered;
	[smem:$0x3FD2] =	sst s25  }
0xac: {  	s6 =	sshll.u32 s26, $0x1;
	_ =	strace $0x80000046;
	[dreg:$0x1] =	wrdreg $0xFFFFFFFF  }
0xad: {  	s28 =	simm.s32 $_size_execute0_lowered;
	s4 =	sadd.s32 s4, s6;
	[dreg:$0x0] =	wrdreg $0x0  }
0xae: {  	s6 =	sshll.u32 s28, $0x1;
	[dreg:$0x2] =	wrdreg s4  }
0xaf: {  	[dreg:$0x3] =	wrdreg s6  }
0xb0: {  	[dreg:$0x4] =	wrdreg $0xC0  }
0xb1: {  	_ =	task [dreg:s8], $0x5FFFF  }
0xb2: {  	[dreg:$0x1] =	wrdreg $0xFFFFFFFF  }
0xb3: {  	[dreg:$0x0] =	wrdreg $0x60  }
0xb4: {  	[dreg:$0x2] =	wrdreg s15  }
0xb5: {  	[dreg:$0x3] =	wrdreg s24  }
0xb6: {  	[dreg:$0x4] =	wrdreg s16  }
0xb7: {  	[dreg:$0x5] =	wrdreg $0x9  }
0xb8: {  	_ =	task.clear_ibuf [dreg:s8], $0x6FFFF;
	_ =	strace $0x90000046  }
0xb9: {  	s29 =	simm.s32 $0x9;
	_ =	strace $0x80000048  }
0xba: {  	_ =	swait.ge [sflag:s29], $0x1  }
0xbb: {  	[sflag:s29] =	ssyncadd.s32 $0xFFFFFFFF  }
0xbc: {  	_ =	strace $0x90000048  }
0xbd: {  	_ =	sfence  }
0xbe: {  	s30 =	sld [smem:$0x0];
	_ =	sdelay $0x2  }
0xbf: {  	s31 =	sshll.u32 s1, $0xD;
	s1 =	sshrl.u32 s1, $0x2  }
0xc0: {  	s3 =	sand.u32 $0x4000, s31;
	s1 =	sadd.s32 s1, s30  }
0xc1: {  	s0 =	sor.u32 s3, s0;
	s1 =	sshll.u32 s1, $0x11  }
0xc2: {  	s0 =	sor.u32 s1, s0  }
0xc3: {  	s0 =	sadd.s32 $0x8F2B, s0  }
0xc4: {  	[sflag:s0] =	ssyncadd.remote.s32 $0x1  }
0xc5: {  	_ =	sfence.sel $0xFFFF  }
0xc6: {  	[dreg:$0x0] =	wrdreg $0xFFFFFFFF;
	(pc) =	sbr.abs _section_cstart, $3  }
0xc7: {  	[dreg:$0x1] =	wrdreg $0xFFFFFFFF  }
0xc8: {  	_ =	task.clear_ibuf [dreg:s8], $0x2FFFF;
	_ =	strace $0x9FFFFFFF  }
0xc9: {  	(tm) =	ssettm $0x7FFFFFFF  }
tec
execute0_lowered:
.L_overlay_start_1:
0x0: {  	(tag) =	ssettag $0x1  }
0x1: {  	s1 =	rddreg [dreg:$0x0]  }
0x2: {  	s2 =	srdreg.scid;
	s4 =	rddreg [dreg:$0x1]  }
0x3: {  	s0 =	stileid.u32;
	s6 =	rddreg [dreg:$0x2]  }
0x4: {  	s9 =	simm.s32 $0x1A80;
	s10 =	simm.s32 $0x2280;
	s11 =	simm.s32 $0x2A80  }
0x5: {  	s12 =	simm.s32 $0x3280;
	s13 =	simm.s32 $0x3A80;
	s14 =	simm.s32 $0x4280  }
0x6: {  	s15 =	simm.s32 $0x4A80;
	s16 =	simm.s32 $0x5280;
	s17 =	simm.s32 $0x5A80  }
0x7: {  	s28 =	simm.s32 $0xAA80;
	s2 =	sand.u32 $0x1, s2;
	s3 =	sshll.u32 s0, $0x1  }
0x8: {  	s29 =	simm.s32 $0xB280;
	s30 =	simm.s32 $0xBA80;
	s5 =	sor.u32 s2, s3  }
0x9: {  	s31 =	simm.s32 $0x1;
	s3 =	simm.s32 $0x0;
	s7 =	smul.u32 $0x48, s5  }
0xa: {  	s2 =	ssub.s32 $0x2, s2;
	s8 =	smul.u32 $0x24000, s5;
	[smem:$0x7FF] =	sst s3  }
0xb: {  	s5 =	smul.u32 $0x4800, s5;
	s24 =	sshrl.u32 s2, $0x1;
	_ =	strace $0x80000047  }
0xc: {  	s2 =	ssub.s32 s2, s24;
	s24 =	simm.s32 $0x9280;
	s4 =	sadd.s32 s7, s4  }
0xd: {  	s18 =	sshrl.u32 s8, $0x3;
	s19 =	sadd.s32 s6, s5;
	s5 =	simm.s32 $0x3  }
0xe: {  	s7 =	simm.s32 $0xA80;
	s8 =	simm.s32 $0x1280;
	s4 =	sadd.s32 $0xA00, s4  }
0xf: {  	s20 =	sadd.s32 s6, s18;
	[dreg:$0x5] =	wrdreg s19;
	s6 =	simm.s32 $0x280  }
0x10: {  	s18 =	simm.s32 $0x6280;
	[dreg:$0x4] =	wrdreg s4;
	s21 =	sadd.s32 $0xC00, s20  }
0x11: {  	s19 =	simm.s32 $0x6A80;
	s22 =	sadd.s32 $0x1800, s20;
	[dreg:$0x6] =	wrdreg s21  }
0x12: {  	s23 =	sadd.s32 $0x2400, s20;
	s25 =	sadd.s32 $0x3000, s20;
	[dreg:$0x7] =	wrdreg s22  }
0x13: {  	s26 =	sadd.s32 $0x3C00, s20;
	s4 =	smax.u32 s2, $0x1;
	[dreg:$0x8] =	wrdreg s23  }
0x14: {  	v2 =	vlaneseq.u32;
	s20 =	simm.s32 $0x7280;
	s2 =	simm.s32 $0x2;
	[dreg:$0x9] =	wrdreg s25  }
0x15: {  	vm0 =	vmmov $0xffff;
	v1 =	vshrl.u32 v2, $0x3;
	[dreg:$0xa] =	wrdreg s26;
	s21 =	simm.s32 $0x7A80;
	s22 =	simm.s32 $0x8280  }
0x16: {  	v0 =	vand.u32 $0x7, v2;
	v2 =	vor.u32 $0x8, v2;
	v1 =	vmul.u32 $0x8, v1;
	s23 =	simm.s32 $0x8A80;
	s25 =	simm.s32 $0x9A80;
	s26 =	simm.s32 $0xA280  }
.LBB2_1:
0x17: {  	s0 =	rddreg [dreg:$0x4]  }
0x18: {  	[tilespmem:s3], [sflag:$0x3] =	stream.linear.gather [hbm4b:s0+s3], $0x240, $0x38;
	[tilespmem:$0xC280] =	vst v63  }
0x19: {  	_ =	swait.ge [sflag:s5], $0x240  }
0x1a: {  	[sflag:s5] =	ssyncset.done $0x0  }
0x1b: {  	[sflag:s5] =	ssyncadd.s32 $0xFFFFFDC0  }
0x1c: {  	v3 =	vld [tilespmem:$0x0];
	_ =	sdelay $0x4  }
0x1d: {  	v4 =	vshll.u32 v3, $0x1  }
0x1e: {  	v3 =	vand.u32 $0x7, v3;
	v4 =	vand.u32 $0xFFFFFFF0, v4  }
0x1f: {  	v3 =	vor.u32 v3, v4  }
0x20: {  	v4 =	vperm.xlane v3, v0;
	_ =	sdelay $0x1  }
0x21: {  	v3 =	vperm.xlane v3, v2;
	v4 =	vadd.s32 v1, v4;
	_ =	sdelay $0x1  }
0x22: {  	v3 =	vadd.s32 v1, v3;
	_ =	sdelay $0x2  }
0x23: {  	[tilespmem:s6], [sflag:$0x1] =	stream.indirect_vreg.gather [hbm4b:s1+s3], $0x80, v4, vm0, $0xb8;
	[tilespmem:$0xC280] =	vst v63  }
0x24: {  	_ = 	snop  }
0x25: {  	[tilespmem:s7], [sflag:$0x1] =	stream.indirect_vreg.gather [hbm4b:s1+s3], $0x80, v3, vm0, $0xb8;
	[tilespmem:$0xC280] =	vst v63  }
0x26: {  	v3 =	vld [tilespmem:$0x10];
	_ =	sdelay $0x4  }
0x27: {  	v29 =	vshll.u32 v3, $0x1  }
0x28: {  	v3 =	vand.u32 $0x7, v3;
	v4 =	vand.u32 $0xFFFFFFF0, v29  }
0x29: {  	v3 =	vor.u32 v3, v4  }
0x2a: {  	v4 =	vperm.xlane v3, v0;
	_ =	sdelay $0x1  }
0x2b: {  	v3 =	vperm.xlane v3, v2;
	v4 =	vadd.s32 v1, v4;
	_ =	sdelay $0x1  }
0x2c: {  	v3 =	vadd.s32 v1, v3;
	_ =	sdelay $0x2  }
0x2d: {  	[tilespmem:s8], [sflag:$0x1] =	stream.indirect_vreg.gather [hbm4b:s1+s3], $0x80, v4, vm0, $0xb8;
	[tilespmem:$0xC280] =	vst v63  }
0x2e: {  	_ = 	snop  }
0x2f: {  	[tilespmem:s9], [sflag:$0x1] =	stream.indirect_vreg.gather [hbm4b:s1+s3], $0x80, v3, vm0, $0xb8;
	[tilespmem:$0xC280] =	vst v63  }
0x30: {  	v3 =	vld [tilespmem:$0x20];
	_ =	sdelay $0x4  }
0x31: {  	v30 =	vshll.u32 v3, $0x1  }
0x32: {  	v3 =	vand.u32 $0x7, v3;
	v4 =	vand.u32 $0xFFFFFFF0, v30  }
0x33: {  	v3 =	vor.u32 v3, v4  }
0x34: {  	v4 =	vperm.xlane v3, v0;
	_ =	sdelay $0x1  }
0x35: {  	v3 =	vperm.xlane v3, v2;
	v4 =	vadd.s32 v1, v4;
	_ =	sdelay $0x1  }
0x36: {  	v3 =	vadd.s32 v1, v3;
	_ =	sdelay $0x2  }
0x37: {  	[tilespmem:s10], [sflag:$0x1] =	stream.indirect_vreg.gather [hbm4b:s1+s3], $0x80, v4, vm0, $0xb8;
	[tilespmem:$0xC280] =	vst v63  }
0x38: {  	_ = 	snop  }
0x39: {  	[tilespmem:s11], [sflag:$0x1] =	stream.indirect_vreg.gather [hbm4b:s1+s3], $0x80, v3, vm0, $0xb8;
	[tilespmem:$0xC280] =	vst v63  }
0x3a: {  	v3 =	vld [tilespmem:$0x30];
	_ =	sdelay $0x4  }
0x3b: {  	v31 =	vshll.u32 v3, $0x1  }
0x3c: {  	v3 =	vand.u32 $0x7, v3;
	v4 =	vand.u32 $0xFFFFFFF0, v31  }
0x3d: {  	v3 =	vor.u32 v3, v4  }
0x3e: {  	v4 =	vperm.xlane v3, v0;
	_ =	sdelay $0x1  }
0x3f: {  	v3 =	vperm.xlane v3, v2;
	v4 =	vadd.s32 v1, v4;
	_ =	sdelay $0x1  }
0x40: {  	v3 =	vadd.s32 v1, v3;
	_ =	sdelay $0x2  }
0x41: {  	[tilespmem:s12], [sflag:$0x1] =	stream.indirect_vreg.gather [hbm4b:s1+s3], $0x80, v4, vm0, $0xb8;
	[tilespmem:$0xC280] =	vst v63  }
0x42: {  	_ = 	snop  }
0x43: {  	[tilespmem:s13], [sflag:$0x1] =	stream.indirect_vreg.gather [hbm4b:s1+s3], $0x80, v3, vm0, $0xb8;
	[tilespmem:$0xC280] =	vst v63  }
0x44: {  	v3 =	vld [tilespmem:$0x40];
	_ =	sdelay $0x4  }
0x45: {  	v32 =	vshll.u32 v3, $0x1  }
0x46: {  	v3 =	vand.u32 $0x7, v3;
	v4 =	vand.u32 $0xFFFFFFF0, v32  }
0x47: {  	v3 =	vor.u32 v3, v4  }
0x48: {  	v4 =	vperm.xlane v3, v0;
	_ =	sdelay $0x1  }
0x49: {  	v3 =	vperm.xlane v3, v2;
	v4 =	vadd.s32 v1, v4;
	_ =	sdelay $0x1  }
0x4a: {  	v3 =	vadd.s32 v1, v3;
	_ =	sdelay $0x2  }
0x4b: {  	[tilespmem:s14], [sflag:$0x1] =	stream.indirect_vreg.gather [hbm4b:s1+s3], $0x80, v4, vm0, $0xb8;
	[tilespmem:$0xC280] =	vst v63  }
0x4c: {  	_ = 	snop  }
0x4d: {  	[tilespmem:s15], [sflag:$0x1] =	stream.indirect_vreg.gather [hbm4b:s1+s3], $0x80, v3, vm0, $0xb8;
	[tilespmem:$0xC280] =	vst v63  }
0x4e: {  	v3 =	vld [tilespmem:$0x50];
	_ =	sdelay $0x4  }
0x4f: {  	v33 =	vshll.u32 v3, $0x1  }
0x50: {  	v3 =	vand.u32 $0x7, v3;
	v4 =	vand.u32 $0xFFFFFFF0, v33  }
0x51: {  	v3 =	vor.u32 v3, v4  }
0x52: {  	v4 =	vperm.xlane v3, v0;
	_ =	sdelay $0x1  }
0x53: {  	v3 =	vperm.xlane v3, v2;
	v4 =	vadd.s32 v1, v4;
	_ =	sdelay $0x1  }
0x54: {  	v3 =	vadd.s32 v1, v3;
	_ =	sdelay $0x2  }
0x55: {  	[tilespmem:s16], [sflag:$0x1] =	stream.indirect_vreg.gather [hbm4b:s1+s3], $0x80, v4, vm0, $0xb8;
	[tilespmem:$0xC280] =	vst v63  }
0x56: {  	_ = 	snop  }
0x57: {  	[tilespmem:s17], [sflag:$0x1] =	stream.indirect_vreg.gather [hbm4b:s1+s3], $0x80, v3, vm0, $0xb8;
	[tilespmem:$0xC280] =	vst v63  }
0x58: {  	v3 =	vld [tilespmem:$0x60];
	_ =	sdelay $0x4  }
0x59: {  	v34 =	vshll.u32 v3, $0x1  }
0x5a: {  	v3 =	vand.u32 $0x7, v3;
	v4 =	vand.u32 $0xFFFFFFF0, v34  }
0x5b: {  	v3 =	vor.u32 v3, v4  }
0x5c: {  	v4 =	vperm.xlane v3, v0;
	_ =	sdelay $0x1  }
0x5d: {  	v3 =	vperm.xlane v3, v2;
	v4 =	vadd.s32 v1, v4;
	_ =	sdelay $0x1  }
0x5e: {  	v3 =	vadd.s32 v1, v3;
	_ =	sdelay $0x2  }
0x5f: {  	[tilespmem:s18], [sflag:$0x2] =	stream.indirect_vreg.gather [hbm4b:s1+s3], $0x80, v4, vm0, $0xb8;
	[tilespmem:$0xC280] =	vst v63  }
0x60: {  	_ = 	snop  }
0x61: {  	[tilespmem:s19], [sflag:$0x2] =	stream.indirect_vreg.gather [hbm4b:s1+s3], $0x80, v3, vm0, $0xb8;
	[tilespmem:$0xC280] =	vst v63  }
0x62: {  	v3 =	vld [tilespmem:$0x70];
	_ =	sdelay $0x4  }
0x63: {  	v35 =	vshll.u32 v3, $0x1  }
0x64: {  	v3 =	vand.u32 $0x7, v3;
	v4 =	vand.u32 $0xFFFFFFF0, v35  }
0x65: {  	v3 =	vor.u32 v3, v4  }
0x66: {  	v4 =	vperm.xlane v3, v0;
	_ =	sdelay $0x1  }
0x67: {  	v3 =	vperm.xlane v3, v2;
	v4 =	vadd.s32 v1, v4;
	_ =	sdelay $0x1  }
0x68: {  	v3 =	vadd.s32 v1, v3;
	_ =	sdelay $0x2  }
0x69: {  	[tilespmem:s20], [sflag:$0x2] =	stream.indirect_vreg.gather [hbm4b:s1+s3], $0x80, v4, vm0, $0xb8;
	[tilespmem:$0xC280] =	vst v63  }
0x6a: {  	_ = 	snop  }
0x6b: {  	[tilespmem:s21], [sflag:$0x2] =	stream.indirect_vreg.gather [hbm4b:s1+s3], $0x80, v3, vm0, $0xb8;
	[tilespmem:$0xC280] =	vst v63  }
0x6c: {  	v3 =	vld [tilespmem:$0x80];
	_ =	sdelay $0x4  }
0x6d: {  	v36 =	vshll.u32 v3, $0x1  }
0x6e: {  	v3 =	vand.u32 $0x7, v3;
	v4 =	vand.u32 $0xFFFFFFF0, v36  }
0x6f: {  	v3 =	vor.u32 v3, v4  }
0x70: {  	v4 =	vperm.xlane v3, v0;
	_ =	sdelay $0x1  }
0x71: {  	v3 =	vperm.xlane v3, v2;
	v4 =	vadd.s32 v1, v4;
	_ =	sdelay $0x1  }
0x72: {  	v3 =	vadd.s32 v1, v3;
	_ =	sdelay $0x2  }
0x73: {  	[tilespmem:s22], [sflag:$0x2] =	stream.indirect_vreg.gather [hbm4b:s1+s3], $0x80, v4, vm0, $0xb8;
	[tilespmem:$0xC280] =	vst v63  }
0x74: {  	_ = 	snop  }
0x75: {  	[tilespmem:s23], [sflag:$0x2] =	stream.indirect_vreg.gather [hbm4b:s1+s3], $0x80, v3, vm0, $0xb8;
	[tilespmem:$0xC280] =	vst v63  }
0x76: {  	v3 =	vld [tilespmem:$0x90];
	_ =	sdelay $0x4  }
0x77: {  	v37 =	vshll.u32 v3, $0x1  }
0x78: {  	v3 =	vand.u32 $0x7, v3;
	v4 =	vand.u32 $0xFFFFFFF0, v37  }
0x79: {  	v3 =	vor.u32 v3, v4  }
0x7a: {  	v4 =	vperm.xlane v3, v0;
	_ =	sdelay $0x1  }
0x7b: {  	v3 =	vperm.xlane v3, v2;
	v4 =	vadd.s32 v1, v4;
	_ =	sdelay $0x1  }
0x7c: {  	v3 =	vadd.s32 v1, v3;
	_ =	sdelay $0x2  }
0x7d: {  	[tilespmem:s24], [sflag:$0x2] =	stream.indirect_vreg.gather [hbm4b:s1+s3], $0x80, v4, vm0, $0xb8;
	[tilespmem:$0xC280] =	vst v63  }
0x7e: {  	_ = 	snop  }
0x7f: {  	[tilespmem:s25], [sflag:$0x2] =	stream.indirect_vreg.gather [hbm4b:s1+s3], $0x80, v3, vm0, $0xb8;
	[tilespmem:$0xC280] =	vst v63  }
0x80: {  	v3 =	vld [tilespmem:$0xA0];
	_ =	sdelay $0x4  }
0x81: {  	v38 =	vshll.u32 v3, $0x1  }
0x82: {  	v3 =	vand.u32 $0x7, v3;
	v4 =	vand.u32 $0xFFFFFFF0, v38  }
0x83: {  	v3 =	vor.u32 v3, v4  }
0x84: {  	v4 =	vperm.xlane v3, v0;
	_ =	sdelay $0x1  }
0x85: {  	v3 =	vperm.xlane v3, v2;
	v4 =	vadd.s32 v1, v4;
	_ =	sdelay $0x1  }
0x86: {  	v3 =	vadd.s32 v1, v3;
	_ =	sdelay $0x2  }
0x87: {  	[tilespmem:s26], [sflag:$0x2] =	stream.indirect_vreg.gather [hbm4b:s1+s3], $0x80, v4, vm0, $0xb8;
	[tilespmem:$0xC280] =	vst v63  }
0x88: {  	_ = 	snop  }
0x89: {  	[tilespmem:s28], [sflag:$0x2] =	stream.indirect_vreg.gather [hbm4b:s1+s3], $0x80, v3, vm0, $0xb8;
	[tilespmem:$0xC280] =	vst v63  }
0x8a: {  	v3 =	vld [tilespmem:$0xB0];
	_ =	sdelay $0x4  }
0x8b: {  	v39 =	vshll.u32 v3, $0x1  }
0x8c: {  	v3 =	vand.u32 $0x7, v3;
	v4 =	vand.u32 $0xFFFFFFF0, v39  }
0x8d: {  	v3 =	vor.u32 v3, v4  }
0x8e: {  	v4 =	vperm.xlane v3, v0;
	_ =	sdelay $0x1  }
0x8f: {  	v3 =	vperm.xlane v3, v2;
	v4 =	vadd.s32 v1, v4;
	_ =	sdelay $0x1  }
0x90: {  	v3 =	vadd.s32 v1, v3;
	_ =	sdelay $0x2  }
0x91: {  	[tilespmem:s29], [sflag:$0x2] =	stream.indirect_vreg.gather [hbm4b:s1+s3], $0x80, v4, vm0, $0xb8;
	[tilespmem:$0xC280] =	vst v63  }
0x92: {  	_ = 	snop  }
0x93: {  	[tilespmem:s30], [sflag:$0x2] =	stream.indirect_vreg.gather [hbm4b:s1+s3], $0x80, v3, vm0, $0xb8;
	[tilespmem:$0xC280] =	vst v63  }
0x94: {  	_ =	swait.ge [sflag:s31], $0x6000  }
0x95: {  	[sflag:s31] =	ssyncset.done $0x0  }
0x96: {  	s0 =	rddreg [dreg:$0x5];
	[sflag:s31] =	ssyncadd.s32 $0xFFFFA000  }
0x97: {  	[hbm4b:s0+s3] =	stream.linear.scatter [tilespmem:s6], [sflag:$0x3], $0x6000, $0x38;
	[tilespmem:$0xC280] =	vst v63  }
0x98: {  	_ =	swait.ge [sflag:s5], $0x6000  }
0x99: {  	[sflag:s5] =	ssyncset.done $0x0  }
0x9a: {  	[sflag:s5] =	ssyncadd.s32 $0xFFFFA000  }
0x9b: {  	v3 =	vld [tilespmem:$0xC0];
	_ =	sdelay $0x4  }
0x9c: {  	v40 =	vshll.u32 v3, $0x1  }
0x9d: {  	v3 =	vand.u32 $0x7, v3;
	v4 =	vand.u32 $0xFFFFFFF0, v40  }
0x9e: {  	v3 =	vor.u32 v3, v4  }
0x9f: {  	v4 =	vperm.xlane v3, v0;
	_ =	sdelay $0x1  }
0xa0: {  	v3 =	vperm.xlane v3, v2;
	v4 =	vadd.s32 v1, v4;
	_ =	sdelay $0x1  }
0xa1: {  	v3 =	vadd.s32 v1, v3;
	_ =	sdelay $0x2  }
0xa2: {  	[tilespmem:s6], [sflag:$0x1] =	stream.indirect_vreg.gather [hbm4b:s1+s3], $0x80, v4, vm0, $0xb8;
	[tilespmem:$0xC280] =	vst v63  }
0xa3: {  	_ = 	snop  }
0xa4: {  	[tilespmem:s7], [sflag:$0x1] =	stream.indirect_vreg.gather [hbm4b:s1+s3], $0x80, v3, vm0, $0xb8;
	[tilespmem:$0xC280] =	vst v63  }
0xa5: {  	v3 =	vld [tilespmem:$0xD0];
	_ =	sdelay $0x4  }
0xa6: {  	v41 =	vshll.u32 v3, $0x1  }
0xa7: {  	v3 =	vand.u32 $0x7, v3;
	v4 =	vand.u32 $0xFFFFFFF0, v41  }
0xa8: {  	v3 =	vor.u32 v3, v4  }
0xa9: {  	v4 =	vperm.xlane v3, v0;
	_ =	sdelay $0x1  }
0xaa: {  	v3 =	vperm.xlane v3, v2;
	v4 =	vadd.s32 v1, v4;
	_ =	sdelay $0x1  }
0xab: {  	v3 =	vadd.s32 v1, v3;
	_ =	sdelay $0x2  }
0xac: {  	[tilespmem:s8], [sflag:$0x1] =	stream.indirect_vreg.gather [hbm4b:s1+s3], $0x80, v4, vm0, $0xb8;
	[tilespmem:$0xC280] =	vst v63  }
0xad: {  	_ = 	snop  }
0xae: {  	[tilespmem:s9], [sflag:$0x1] =	stream.indirect_vreg.gather [hbm4b:s1+s3], $0x80, v3, vm0, $0xb8;
	[tilespmem:$0xC280] =	vst v63  }
0xaf: {  	v3 =	vld [tilespmem:$0xE0];
	_ =	sdelay $0x4  }
0xb0: {  	v42 =	vshll.u32 v3, $0x1  }
0xb1: {  	v3 =	vand.u32 $0x7, v3;
	v4 =	vand.u32 $0xFFFFFFF0, v42  }
0xb2: {  	v3 =	vor.u32 v3, v4  }
0xb3: {  	v4 =	vperm.xlane v3, v0;
	_ =	sdelay $0x1  }
0xb4: {  	v3 =	vperm.xlane v3, v2;
	v4 =	vadd.s32 v1, v4;
	_ =	sdelay $0x1  }
0xb5: {  	v3 =	vadd.s32 v1, v3;
	_ =	sdelay $0x2  }
0xb6: {  	[tilespmem:s10], [sflag:$0x1] =	stream.indirect_vreg.gather [hbm4b:s1+s3], $0x80, v4, vm0, $0xb8;
	[tilespmem:$0xC280] =	vst v63  }
0xb7: {  	_ = 	snop  }
0xb8: {  	[tilespmem:s11], [sflag:$0x1] =	stream.indirect_vreg.gather [hbm4b:s1+s3], $0x80, v3, vm0, $0xb8;
	[tilespmem:$0xC280] =	vst v63  }
0xb9: {  	v3 =	vld [tilespmem:$0xF0];
	_ =	sdelay $0x4  }
0xba: {  	v43 =	vshll.u32 v3, $0x1  }
0xbb: {  	v3 =	vand.u32 $0x7, v3;
	v4 =	vand.u32 $0xFFFFFFF0, v43  }
0xbc: {  	v3 =	vor.u32 v3, v4  }
0xbd: {  	v4 =	vperm.xlane v3, v0;
	_ =	sdelay $0x1  }
0xbe: {  	v3 =	vperm.xlane v3, v2;
	v4 =	vadd.s32 v1, v4;
	_ =	sdelay $0x1  }
0xbf: {  	v3 =	vadd.s32 v1, v3;
	_ =	sdelay $0x2  }
0xc0: {  	[tilespmem:s12], [sflag:$0x1] =	stream.indirect_vreg.gather [hbm4b:s1+s3], $0x80, v4, vm0, $0xb8;
	[tilespmem:$0xC280] =	vst v63  }
0xc1: {  	_ = 	snop  }
0xc2: {  	[tilespmem:s13], [sflag:$0x1] =	stream.indirect_vreg.gather [hbm4b:s1+s3], $0x80, v3, vm0, $0xb8;
	[tilespmem:$0xC280] =	vst v63  }
0xc3: {  	v3 =	vld [tilespmem:$0x100];
	_ =	sdelay $0x4  }
0xc4: {  	v44 =	vshll.u32 v3, $0x1  }
0xc5: {  	v3 =	vand.u32 $0x7, v3;
	v4 =	vand.u32 $0xFFFFFFF0, v44  }
0xc6: {  	v3 =	vor.u32 v3, v4  }
0xc7: {  	v4 =	vperm.xlane v3, v0;
	_ =	sdelay $0x1  }
0xc8: {  	v3 =	vperm.xlane v3, v2;
	v4 =	vadd.s32 v1, v4;
	_ =	sdelay $0x1  }
0xc9: {  	v3 =	vadd.s32 v1, v3;
	_ =	sdelay $0x2  }
0xca: {  	[tilespmem:s14], [sflag:$0x1] =	stream.indirect_vreg.gather [hbm4b:s1+s3], $0x80, v4, vm0, $0xb8;
	[tilespmem:$0xC280] =	vst v63  }
0xcb: {  	_ = 	snop  }
0xcc: {  	[tilespmem:s15], [sflag:$0x1] =	stream.indirect_vreg.gather [hbm4b:s1+s3], $0x80, v3, vm0, $0xb8;
	[tilespmem:$0xC280] =	vst v63  }
0xcd: {  	v3 =	vld [tilespmem:$0x110];
	_ =	sdelay $0x4  }
0xce: {  	v45 =	vshll.u32 v3, $0x1  }
0xcf: {  	v3 =	vand.u32 $0x7, v3;
	v4 =	vand.u32 $0xFFFFFFF0, v45  }
0xd0: {  	v3 =	vor.u32 v3, v4  }
0xd1: {  	v4 =	vperm.xlane v3, v0;
	_ =	sdelay $0x1  }
0xd2: {  	v3 =	vperm.xlane v3, v2;
	v4 =	vadd.s32 v1, v4;
	_ =	sdelay $0x1  }
0xd3: {  	v3 =	vadd.s32 v1, v3;
	_ =	sdelay $0x2  }
0xd4: {  	[tilespmem:s16], [sflag:$0x1] =	stream.indirect_vreg.gather [hbm4b:s1+s3], $0x80, v4, vm0, $0xb8;
	[tilespmem:$0xC280] =	vst v63  }
0xd5: {  	_ = 	snop  }
0xd6: {  	[tilespmem:s17], [sflag:$0x1] =	stream.indirect_vreg.gather [hbm4b:s1+s3], $0x80, v3, vm0, $0xb8;
	[tilespmem:$0xC280] =	vst v63  }
0xd7: {  	_ =	swait.ge [sflag:s2], $0x6000  }
0xd8: {  	[sflag:s2] =	ssyncset.done $0x0  }
0xd9: {  	s0 =	rddreg [dreg:$0x6];
	[sflag:s2] =	ssyncadd.s32 $0xFFFFA000  }
0xda: {  	[hbm4b:s0+s3] =	stream.linear.scatter [tilespmem:s18], [sflag:$0x3], $0x6000, $0x38;
	[tilespmem:$0xC280] =	vst v63  }
0xdb: {  	_ =	swait.ge [sflag:s5], $0x6000  }
0xdc: {  	[sflag:s5] =	ssyncset.done $0x0  }
0xdd: {  	[sflag:s5] =	ssyncadd.s32 $0xFFFFA000  }
0xde: {  	v3 =	vld [tilespmem:$0x120];
	_ =	sdelay $0x4  }
0xdf: {  	v46 =	vshll.u32 v3, $0x1  }
0xe0: {  	v3 =	vand.u32 $0x7, v3;
	v4 =	vand.u32 $0xFFFFFFF0, v46  }
0xe1: {  	v3 =	vor.u32 v3, v4  }
0xe2: {  	v4 =	vperm.xlane v3, v0;
	_ =	sdelay $0x1  }
0xe3: {  	v3 =	vperm.xlane v3, v2;
	v4 =	vadd.s32 v1, v4;
	_ =	sdelay $0x1  }
0xe4: {  	v3 =	vadd.s32 v1, v3;
	_ =	sdelay $0x2  }
0xe5: {  	[tilespmem:s18], [sflag:$0x2] =	stream.indirect_vreg.gather [hbm4b:s1+s3], $0x80, v4, vm0, $0xb8;
	[tilespmem:$0xC280] =	vst v63  }
0xe6: {  	_ = 	snop  }
0xe7: {  	[tilespmem:s19], [sflag:$0x2] =	stream.indirect_vreg.gather [hbm4b:s1+s3], $0x80, v3, vm0, $0xb8;
	[tilespmem:$0xC280] =	vst v63  }
0xe8: {  	v3 =	vld [tilespmem:$0x130];
	_ =	sdelay $0x4  }
0xe9: {  	v47 =	vshll.u32 v3, $0x1  }
0xea: {  	v3 =	vand.u32 $0x7, v3;
	v4 =	vand.u32 $0xFFFFFFF0, v47  }
0xeb: {  	v3 =	vor.u32 v3, v4  }
0xec: {  	v4 =	vperm.xlane v3, v0;
	_ =	sdelay $0x1  }
0xed: {  	v3 =	vperm.xlane v3, v2;
	v4 =	vadd.s32 v1, v4;
	_ =	sdelay $0x1  }
0xee: {  	v3 =	vadd.s32 v1, v3;
	_ =	sdelay $0x2  }
0xef: {  	[tilespmem:s20], [sflag:$0x2] =	stream.indirect_vreg.gather [hbm4b:s1+s3], $0x80, v4, vm0, $0xb8;
	[tilespmem:$0xC280] =	vst v63  }
0xf0: {  	_ = 	snop  }
0xf1: {  	[tilespmem:s21], [sflag:$0x2] =	stream.indirect_vreg.gather [hbm4b:s1+s3], $0x80, v3, vm0, $0xb8;
	[tilespmem:$0xC280] =	vst v63  }
0xf2: {  	v3 =	vld [tilespmem:$0x140];
	_ =	sdelay $0x4  }
0xf3: {  	v48 =	vshll.u32 v3, $0x1  }
0xf4: {  	v3 =	vand.u32 $0x7, v3;
	v4 =	vand.u32 $0xFFFFFFF0, v48  }
0xf5: {  	v3 =	vor.u32 v3, v4  }
0xf6: {  	v4 =	vperm.xlane v3, v0;
	_ =	sdelay $0x1  }
0xf7: {  	v3 =	vperm.xlane v3, v2;
	v4 =	vadd.s32 v1, v4;
	_ =	sdelay $0x1  }
0xf8: {  	v3 =	vadd.s32 v1, v3;
	_ =	sdelay $0x2  }
0xf9: {  	[tilespmem:s22], [sflag:$0x2] =	stream.indirect_vreg.gather [hbm4b:s1+s3], $0x80, v4, vm0, $0xb8;
	[tilespmem:$0xC280] =	vst v63  }
0xfa: {  	_ = 	snop  }
0xfb: {  	[tilespmem:s23], [sflag:$0x2] =	stream.indirect_vreg.gather [hbm4b:s1+s3], $0x80, v3, vm0, $0xb8;
	[tilespmem:$0xC280] =	vst v63  }
0xfc: {  	v3 =	vld [tilespmem:$0x150];
	_ =	sdelay $0x4  }
0xfd: {  	v49 =	vshll.u32 v3, $0x1  }
0xfe: {  	v3 =	vand.u32 $0x7, v3;
	v4 =	vand.u32 $0xFFFFFFF0, v49  }
0xff: {  	v3 =	vor.u32 v3, v4  }
0x100: {  	v4 =	vperm.xlane v3, v0;
	_ =	sdelay $0x1  }
0x101: {  	v3 =	vperm.xlane v3, v2;
	v4 =	vadd.s32 v1, v4;
	_ =	sdelay $0x1  }
0x102: {  	v3 =	vadd.s32 v1, v3;
	_ =	sdelay $0x2  }
0x103: {  	[tilespmem:s24], [sflag:$0x2] =	stream.indirect_vreg.gather [hbm4b:s1+s3], $0x80, v4, vm0, $0xb8;
	[tilespmem:$0xC280] =	vst v63  }
0x104: {  	_ = 	snop  }
0x105: {  	[tilespmem:s25], [sflag:$0x2] =	stream.indirect_vreg.gather [hbm4b:s1+s3], $0x80, v3, vm0, $0xb8;
	[tilespmem:$0xC280] =	vst v63  }
0x106: {  	v3 =	vld [tilespmem:$0x160];
	_ =	sdelay $0x4  }
0x107: {  	v50 =	vshll.u32 v3, $0x1  }
0x108: {  	v3 =	vand.u32 $0x7, v3;
	v4 =	vand.u32 $0xFFFFFFF0, v50  }
0x109: {  	v3 =	vor.u32 v3, v4  }
0x10a: {  	v4 =	vperm.xlane v3, v0;
	_ =	sdelay $0x1  }
0x10b: {  	v3 =	vperm.xlane v3, v2;
	v4 =	vadd.s32 v1, v4;
	_ =	sdelay $0x1  }
0x10c: {  	v3 =	vadd.s32 v1, v3;
	_ =	sdelay $0x2  }
0x10d: {  	[tilespmem:s26], [sflag:$0x2] =	stream.indirect_vreg.gather [hbm4b:s1+s3], $0x80, v4, vm0, $0xb8;
	[tilespmem:$0xC280] =	vst v63  }
0x10e: {  	_ = 	snop  }
0x10f: {  	[tilespmem:s28], [sflag:$0x2] =	stream.indirect_vreg.gather [hbm4b:s1+s3], $0x80, v3, vm0, $0xb8;
	[tilespmem:$0xC280] =	vst v63  }
0x110: {  	v3 =	vld [tilespmem:$0x170];
	_ =	sdelay $0x4  }
0x111: {  	v51 =	vshll.u32 v3, $0x1  }
0x112: {  	v3 =	vand.u32 $0x7, v3;
	v4 =	vand.u32 $0xFFFFFFF0, v51  }
0x113: {  	v3 =	vor.u32 v3, v4  }
0x114: {  	v4 =	vperm.xlane v3, v0;
	_ =	sdelay $0x1  }
0x115: {  	v3 =	vperm.xlane v3, v2;
	v4 =	vadd.s32 v1, v4;
	_ =	sdelay $0x1  }
0x116: {  	v3 =	vadd.s32 v1, v3;
	_ =	sdelay $0x2  }
0x117: {  	[tilespmem:s29], [sflag:$0x2] =	stream.indirect_vreg.gather [hbm4b:s1+s3], $0x80, v4, vm0, $0xb8;
	[tilespmem:$0xC280] =	vst v63  }
0x118: {  	_ = 	snop  }
0x119: {  	[tilespmem:s30], [sflag:$0x2] =	stream.indirect_vreg.gather [hbm4b:s1+s3], $0x80, v3, vm0, $0xb8;
	[tilespmem:$0xC280] =	vst v63  }
0x11a: {  	_ =	swait.ge [sflag:s31], $0x6000  }
0x11b: {  	[sflag:s31] =	ssyncset.done $0x0  }
0x11c: {  	s0 =	rddreg [dreg:$0x7];
	[sflag:s31] =	ssyncadd.s32 $0xFFFFA000  }
0x11d: {  	[hbm4b:s0+s3] =	stream.linear.scatter [tilespmem:s6], [sflag:$0x3], $0x6000, $0x38;
	[tilespmem:$0xC280] =	vst v63  }
0x11e: {  	_ =	swait.ge [sflag:s5], $0x6000  }
0x11f: {  	[sflag:s5] =	ssyncset.done $0x0  }
0x120: {  	[sflag:s5] =	ssyncadd.s32 $0xFFFFA000  }
0x121: {  	v3 =	vld [tilespmem:$0x180];
	_ =	sdelay $0x4  }
0x122: {  	v52 =	vshll.u32 v3, $0x1  }
0x123: {  	v3 =	vand.u32 $0x7, v3;
	v4 =	vand.u32 $0xFFFFFFF0, v52  }
0x124: {  	v3 =	vor.u32 v3, v4  }
0x125: {  	v4 =	vperm.xlane v3, v0;
	_ =	sdelay $0x1  }
0x126: {  	v3 =	vperm.xlane v3, v2;
	v4 =	vadd.s32 v1, v4;
	_ =	sdelay $0x1  }
0x127: {  	v3 =	vadd.s32 v1, v3;
	_ =	sdelay $0x2  }
0x128: {  	[tilespmem:s6], [sflag:$0x1] =	stream.indirect_vreg.gather [hbm4b:s1+s3], $0x80, v4, vm0, $0xb8;
	[tilespmem:$0xC280] =	vst v63  }
0x129: {  	_ = 	snop  }
0x12a: {  	[tilespmem:s7], [sflag:$0x1] =	stream.indirect_vreg.gather [hbm4b:s1+s3], $0x80, v3, vm0, $0xb8;
	[tilespmem:$0xC280] =	vst v63  }
0x12b: {  	v3 =	vld [tilespmem:$0x190];
	_ =	sdelay $0x4  }
0x12c: {  	v53 =	vshll.u32 v3, $0x1  }
0x12d: {  	v3 =	vand.u32 $0x7, v3;
	v4 =	vand.u32 $0xFFFFFFF0, v53  }
0x12e: {  	v3 =	vor.u32 v3, v4  }
0x12f: {  	v4 =	vperm.xlane v3, v0;
	_ =	sdelay $0x1  }
0x130: {  	v3 =	vperm.xlane v3, v2;
	v4 =	vadd.s32 v1, v4;
	_ =	sdelay $0x1  }
0x131: {  	v3 =	vadd.s32 v1, v3;
	_ =	sdelay $0x2  }
0x132: {  	[tilespmem:s8], [sflag:$0x1] =	stream.indirect_vreg.gather [hbm4b:s1+s3], $0x80, v4, vm0, $0xb8;
	[tilespmem:$0xC280] =	vst v63  }
0x133: {  	_ = 	snop  }
0x134: {  	[tilespmem:s9], [sflag:$0x1] =	stream.indirect_vreg.gather [hbm4b:s1+s3], $0x80, v3, vm0, $0xb8;
	[tilespmem:$0xC280] =	vst v63  }
0x135: {  	v3 =	vld [tilespmem:$0x1A0];
	_ =	sdelay $0x4  }
0x136: {  	v54 =	vshll.u32 v3, $0x1  }
0x137: {  	v3 =	vand.u32 $0x7, v3;
	v4 =	vand.u32 $0xFFFFFFF0, v54  }
0x138: {  	v3 =	vor.u32 v3, v4  }
0x139: {  	v4 =	vperm.xlane v3, v0;
	_ =	sdelay $0x1  }
0x13a: {  	v3 =	vperm.xlane v3, v2;
	v4 =	vadd.s32 v1, v4;
	_ =	sdelay $0x1  }
0x13b: {  	v3 =	vadd.s32 v1, v3;
	_ =	sdelay $0x2  }
0x13c: {  	[tilespmem:s10], [sflag:$0x1] =	stream.indirect_vreg.gather [hbm4b:s1+s3], $0x80, v4, vm0, $0xb8;
	[tilespmem:$0xC280] =	vst v63  }
0x13d: {  	_ = 	snop  }
0x13e: {  	[tilespmem:s11], [sflag:$0x1] =	stream.indirect_vreg.gather [hbm4b:s1+s3], $0x80, v3, vm0, $0xb8;
	[tilespmem:$0xC280] =	vst v63  }
0x13f: {  	v3 =	vld [tilespmem:$0x1B0];
	_ =	sdelay $0x4  }
0x140: {  	v55 =	vshll.u32 v3, $0x1  }
0x141: {  	v3 =	vand.u32 $0x7, v3;
	v4 =	vand.u32 $0xFFFFFFF0, v55  }
0x142: {  	v3 =	vor.u32 v3, v4  }
0x143: {  	v4 =	vperm.xlane v3, v0;
	_ =	sdelay $0x1  }
0x144: {  	v3 =	vperm.xlane v3, v2;
	v4 =	vadd.s32 v1, v4;
	_ =	sdelay $0x1  }
0x145: {  	v3 =	vadd.s32 v1, v3;
	_ =	sdelay $0x2  }
0x146: {  	[tilespmem:s12], [sflag:$0x1] =	stream.indirect_vreg.gather [hbm4b:s1+s3], $0x80, v4, vm0, $0xb8;
	[tilespmem:$0xC280] =	vst v63  }
0x147: {  	_ = 	snop  }
0x148: {  	[tilespmem:s13], [sflag:$0x1] =	stream.indirect_vreg.gather [hbm4b:s1+s3], $0x80, v3, vm0, $0xb8;
	[tilespmem:$0xC280] =	vst v63  }
0x149: {  	v3 =	vld [tilespmem:$0x1C0];
	_ =	sdelay $0x4  }
0x14a: {  	v56 =	vshll.u32 v3, $0x1  }
0x14b: {  	v3 =	vand.u32 $0x7, v3;
	v4 =	vand.u32 $0xFFFFFFF0, v56  }
0x14c: {  	v3 =	vor.u32 v3, v4  }
0x14d: {  	v4 =	vperm.xlane v3, v0;
	_ =	sdelay $0x1  }
0x14e: {  	v3 =	vperm.xlane v3, v2;
	v4 =	vadd.s32 v1, v4;
	_ =	sdelay $0x1  }
0x14f: {  	v3 =	vadd.s32 v1, v3;
	_ =	sdelay $0x2  }
0x150: {  	[tilespmem:s14], [sflag:$0x1] =	stream.indirect_vreg.gather [hbm4b:s1+s3], $0x80, v4, vm0, $0xb8;
	[tilespmem:$0xC280] =	vst v63  }
0x151: {  	_ = 	snop  }
0x152: {  	[tilespmem:s15], [sflag:$0x1] =	stream.indirect_vreg.gather [hbm4b:s1+s3], $0x80, v3, vm0, $0xb8;
	[tilespmem:$0xC280] =	vst v63  }
0x153: {  	v3 =	vld [tilespmem:$0x1D0];
	_ =	sdelay $0x4  }
0x154: {  	v57 =	vshll.u32 v3, $0x1  }
0x155: {  	v3 =	vand.u32 $0x7, v3;
	v4 =	vand.u32 $0xFFFFFFF0, v57  }
0x156: {  	v3 =	vor.u32 v3, v4  }
0x157: {  	v4 =	vperm.xlane v3, v0;
	_ =	sdelay $0x1  }
0x158: {  	v3 =	vperm.xlane v3, v2;
	v4 =	vadd.s32 v1, v4;
	_ =	sdelay $0x1  }
0x159: {  	v3 =	vadd.s32 v1, v3;
	_ =	sdelay $0x2  }
0x15a: {  	[tilespmem:s16], [sflag:$0x1] =	stream.indirect_vreg.gather [hbm4b:s1+s3], $0x80, v4, vm0, $0xb8;
	[tilespmem:$0xC280] =	vst v63  }
0x15b: {  	_ = 	snop  }
0x15c: {  	[tilespmem:s17], [sflag:$0x1] =	stream.indirect_vreg.gather [hbm4b:s1+s3], $0x80, v3, vm0, $0xb8;
	[tilespmem:$0xC280] =	vst v63  }
0x15d: {  	_ =	swait.ge [sflag:s2], $0x6000  }
0x15e: {  	[sflag:s2] =	ssyncset.done $0x0  }
0x15f: {  	s0 =	rddreg [dreg:$0x8];
	[sflag:s2] =	ssyncadd.s32 $0xFFFFA000  }
0x160: {  	[hbm4b:s0+s3] =	stream.linear.scatter [tilespmem:s18], [sflag:$0x3], $0x6000, $0x38;
	[tilespmem:$0xC280] =	vst v63  }
0x161: {  	_ =	swait.ge [sflag:s5], $0x6000  }
0x162: {  	[sflag:s5] =	ssyncset.done $0x0  }
0x163: {  	[sflag:s5] =	ssyncadd.s32 $0xFFFFA000  }
0x164: {  	v3 =	vld [tilespmem:$0x1E0];
	_ =	sdelay $0x4  }
0x165: {  	v58 =	vshll.u32 v3, $0x1  }
0x166: {  	v3 =	vand.u32 $0x7, v3;
	v4 =	vand.u32 $0xFFFFFFF0, v58  }
0x167: {  	v3 =	vor.u32 v3, v4  }
0x168: {  	v4 =	vperm.xlane v3, v0;
	_ =	sdelay $0x1  }
0x169: {  	v3 =	vperm.xlane v3, v2;
	v4 =	vadd.s32 v1, v4;
	_ =	sdelay $0x1  }
0x16a: {  	v3 =	vadd.s32 v1, v3;
	_ =	sdelay $0x2  }
0x16b: {  	[tilespmem:s18], [sflag:$0x2] =	stream.indirect_vreg.gather [hbm4b:s1+s3], $0x80, v4, vm0, $0xb8;
	[tilespmem:$0xC280] =	vst v63  }
0x16c: {  	_ = 	snop  }
0x16d: {  	[tilespmem:s19], [sflag:$0x2] =	stream.indirect_vreg.gather [hbm4b:s1+s3], $0x80, v3, vm0, $0xb8;
	[tilespmem:$0xC280] =	vst v63  }
0x16e: {  	v3 =	vld [tilespmem:$0x1F0];
	_ =	sdelay $0x4  }
0x16f: {  	v59 =	vshll.u32 v3, $0x1  }
0x170: {  	v3 =	vand.u32 $0x7, v3;
	v4 =	vand.u32 $0xFFFFFFF0, v59  }
0x171: {  	v3 =	vor.u32 v3, v4  }
0x172: {  	v4 =	vperm.xlane v3, v0;
	_ =	sdelay $0x1  }
0x173: {  	v3 =	vperm.xlane v3, v2;
	v4 =	vadd.s32 v1, v4;
	_ =	sdelay $0x1  }
0x174: {  	v3 =	vadd.s32 v1, v3;
	_ =	sdelay $0x2  }
0x175: {  	[tilespmem:s20], [sflag:$0x2] =	stream.indirect_vreg.gather [hbm4b:s1+s3], $0x80, v4, vm0, $0xb8;
	[tilespmem:$0xC280] =	vst v63  }
0x176: {  	_ = 	snop  }
0x177: {  	[tilespmem:s21], [sflag:$0x2] =	stream.indirect_vreg.gather [hbm4b:s1+s3], $0x80, v3, vm0, $0xb8;
	[tilespmem:$0xC280] =	vst v63  }
0x178: {  	v3 =	vld [tilespmem:$0x200];
	_ =	sdelay $0x4  }
0x179: {  	v60 =	vshll.u32 v3, $0x1  }
0x17a: {  	v3 =	vand.u32 $0x7, v3;
	v4 =	vand.u32 $0xFFFFFFF0, v60  }
0x17b: {  	v3 =	vor.u32 v3, v4  }
0x17c: {  	v4 =	vperm.xlane v3, v0;
	_ =	sdelay $0x1  }
0x17d: {  	v3 =	vperm.xlane v3, v2;
	v4 =	vadd.s32 v1, v4;
	_ =	sdelay $0x1  }
0x17e: {  	v3 =	vadd.s32 v1, v3;
	_ =	sdelay $0x2  }
0x17f: {  	[tilespmem:s22], [sflag:$0x2] =	stream.indirect_vreg.gather [hbm4b:s1+s3], $0x80, v4, vm0, $0xb8;
	[tilespmem:$0xC280] =	vst v63  }
0x180: {  	_ = 	snop  }
0x181: {  	[tilespmem:s23], [sflag:$0x2] =	stream.indirect_vreg.gather [hbm4b:s1+s3], $0x80, v3, vm0, $0xb8;
	[tilespmem:$0xC280] =	vst v63  }
0x182: {  	v3 =	vld [tilespmem:$0x210];
	_ =	sdelay $0x4  }
0x183: {  	v61 =	vshll.u32 v3, $0x1  }
0x184: {  	v3 =	vand.u32 $0x7, v3;
	v4 =	vand.u32 $0xFFFFFFF0, v61  }
0x185: {  	v3 =	vor.u32 v3, v4  }
0x186: {  	v4 =	vperm.xlane v3, v0;
	_ =	sdelay $0x1  }
0x187: {  	v3 =	vperm.xlane v3, v2;
	v4 =	vadd.s32 v1, v4;
	_ =	sdelay $0x1  }
0x188: {  	v3 =	vadd.s32 v1, v3;
	_ =	sdelay $0x2  }
0x189: {  	[tilespmem:s24], [sflag:$0x2] =	stream.indirect_vreg.gather [hbm4b:s1+s3], $0x80, v4, vm0, $0xb8;
	[tilespmem:$0xC280] =	vst v63  }
0x18a: {  	_ = 	snop  }
0x18b: {  	[tilespmem:s25], [sflag:$0x2] =	stream.indirect_vreg.gather [hbm4b:s1+s3], $0x80, v3, vm0, $0xb8;
	[tilespmem:$0xC280] =	vst v63  }
0x18c: {  	v3 =	vld [tilespmem:$0x220];
	_ =	sdelay $0x4  }
0x18d: {  	v62 =	vshll.u32 v3, $0x1  }
0x18e: {  	v3 =	vand.u32 $0x7, v3;
	v4 =	vand.u32 $0xFFFFFFF0, v62  }
0x18f: {  	v3 =	vor.u32 v3, v4  }
0x190: {  	v4 =	vperm.xlane v3, v0;
	_ =	sdelay $0x1  }
0x191: {  	v3 =	vperm.xlane v3, v2;
	v4 =	vadd.s32 v1, v4;
	_ =	sdelay $0x1  }
0x192: {  	v3 =	vadd.s32 v1, v3;
	_ =	sdelay $0x2  }
0x193: {  	[tilespmem:s26], [sflag:$0x2] =	stream.indirect_vreg.gather [hbm4b:s1+s3], $0x80, v4, vm0, $0xb8;
	[tilespmem:$0xC280] =	vst v63  }
0x194: {  	_ = 	snop  }
0x195: {  	[tilespmem:s28], [sflag:$0x2] =	stream.indirect_vreg.gather [hbm4b:s1+s3], $0x80, v3, vm0, $0xb8;
	[tilespmem:$0xC280] =	vst v63  }
0x196: {  	v3 =	vld [tilespmem:$0x230];
	_ =	sdelay $0x4  }
0x197: {  	v63 =	vshll.u32 v3, $0x1  }
0x198: {  	v3 =	vand.u32 $0x7, v3;
	v4 =	vand.u32 $0xFFFFFFF0, v63  }
0x199: {  	v3 =	vor.u32 v3, v4  }
0x19a: {  	v4 =	vperm.xlane v3, v0;
	_ =	sdelay $0x1  }
0x19b: {  	v3 =	vperm.xlane v3, v2;
	v4 =	vadd.s32 v1, v4;
	_ =	sdelay $0x1  }
0x19c: {  	v3 =	vadd.s32 v1, v3;
	_ =	sdelay $0x2  }
0x19d: {  	[tilespmem:s29], [sflag:$0x2] =	stream.indirect_vreg.gather [hbm4b:s1+s3], $0x80, v4, vm0, $0xb8;
	[tilespmem:$0xC280] =	vst v63  }
0x19e: {  	_ = 	snop  }
0x19f: {  	[tilespmem:s30], [sflag:$0x2] =	stream.indirect_vreg.gather [hbm4b:s1+s3], $0x80, v3, vm0, $0xb8;
	[tilespmem:$0xC280] =	vst v63  }
0x1a0: {  	_ =	swait.ge [sflag:s31], $0x6000  }
0x1a1: {  	[sflag:s31] =	ssyncset.done $0x0  }
0x1a2: {  	s0 =	rddreg [dreg:$0x9];
	[sflag:s31] =	ssyncadd.s32 $0xFFFFA000  }
0x1a3: {  	[hbm4b:s0+s3] =	stream.linear.scatter [tilespmem:s6], [sflag:$0x3], $0x6000, $0x38;
	[tilespmem:$0xC280] =	vst v63  }
0x1a4: {  	_ =	swait.ge [sflag:s5], $0x6000  }
0x1a5: {  	[sflag:s5] =	ssyncset.done $0x0  }
0x1a6: {  	[sflag:s5] =	ssyncadd.s32 $0xFFFFA000  }
0x1a7: {  	_ =	swait.ge [sflag:s2], $0x6000  }
0x1a8: {  	p0 =	sne.s32 s4, $0x1;
	[sflag:s2] =	ssyncset.done $0x0  }
.Ltmp0:
0x1a9: {  	s0 =	rddreg [dreg:$0xa];
	[sflag:s2] =	ssyncadd.s32 $0xFFFFA000;
	(pc) =	sbr.rel @p0 .LBB2_1-.Ltmp0, $4  }
0x1aa: {  	[hbm4b:s0+s3] =	stream.linear.scatter [tilespmem:s18], [sflag:$0x3], $0x6000, $0x38;
	[tilespmem:$0xC280] =	vst v63  }
0x1ab: {  	_ =	swait.ge [sflag:s5], $0x6000  }
0x1ac: {  	[sflag:s5] =	ssyncset.done $0x0  }
0x1ad: {  	s4 =	sadd.s32 $0xFFFFFFFF, s4;
	[sflag:s5] =	ssyncadd.s32 $0xFFFFA000  }
0x1ae: {  	_ =	sfence.sel $0x180000  }
0x1af: {  	[bflag:$0x0] =	sbarrier.arrive $0xFFFF  }
0x1b0: {  	_ =	strace $0x90000047  }
0x1b1: {  	s0 =	stileid.u32;
	[bflag:$0x2] =	sbarrier.arrive $0xFFFF  }
0x1b2: {  	p0 =	sne.s32 s0, $0x0;
	s0 =	rddreg [dreg:$0x3]  }
0x1b3: {  	s0 =	sadd.s32 @!p0 $0x100000, s0  }
0x1b4: {  	[sflag:s0] =	ssyncadd.tile.s32 @!p0 $0x1;
	_ =	shalt  }
.Lfunc_end2:
_tile_overlayer_lowered:
.L_overlay_start_2:
0x1b5: {  	(tag) =	ssettag $0x2  }
0x1b6: {  	s0 =	rddreg [dreg:$0x0];
	s2 =	stileid.u32  }
0x1b7: {  	s1 =	rddreg [dreg:$0x1];
	p0 =	sne.s32 s2, $0x0  }
0x1b8: {  	s3 =	rddreg [dreg:$0x2];
	[bflag:$0x3] =	sbarrier.arrive $0xFFFF;
	s2 =	simm.s32 @!p0 $0x1C03  }
0x1b9: {  	[timem:s3], [sflag:s2] =	dma.local @!p0 [hbm:s0], s1  }
0x1ba: {  	s0 =	simm.s32 @!p0 $0x3  }
0x1bb: {  	_ =	swait.ge @!p0 [sflag:s0], s1  }
0x1bc: {  	s1 =	ssub.s32 @!p0 $0x0, s1;
	[sflag:s0] =	ssyncset.done @!p0 $0x0  }
0x1bd: {  	[sflag:s0] =	ssyncadd.s32 @!p0 s1  }
0x1be: {  	[bflag:$0x3] =	sbarrier.arrive $0xFFFF  }
0x1bf: {  	_ =	shalt  }

</sc_bundles>
